<compile_context>
chip_gen: v7x
topology: tpu7x:2x2x1
jax: 0.10.2.dev20260603
libtpu: 0.0.44.dev20260713+nightly
codegen_flags: <defaults>
</compile_context>

<pallas_src>
import functools

import jax
import jax.numpy as jnp
from jax import lax
from jax.experimental import pallas as pl
from jax.experimental.pallas import tpu as pltpu
from jax.experimental.pallas import tpu_sc as plsc

BATCH = 4096
NSTEP = 11
LENGTH = 20
INPUT_SIZE = 64

NC = 2
NS = 16
NW = NC * NS
B_PER_W = BATCH // NW
GROUP = 16
NGROUP = B_PER_W // GROUP


def _gather_rows(table, steps):
    mesh = plsc.VectorSubcoreMesh(core_axis_name="c", subcore_axis_name="s")

    @functools.partial(
        pl.kernel,
        mesh=mesh,
        out_type=jax.ShapeDtypeStruct((BATCH, LENGTH, INPUT_SIZE),
                                      jnp.float32),
        scratch_types=[
            pltpu.VMEM((B_PER_W,), jnp.int32),
            pltpu.VMEM((GROUP, LENGTH, INPUT_SIZE), jnp.float32),
            pltpu.SemaphoreType.DMA,
        ],
    )
    def k(table_hbm, steps_hbm, out_hbm, steps_v, rows_v, sem):
        wid = lax.axis_index("s") * NC + lax.axis_index("c")
        start = wid * B_PER_W
        pltpu.sync_copy(steps_hbm.at[pl.ds(start, B_PER_W)], steps_v)

        @pl.loop(0, NGROUP)
        def _(g):
            base = g * GROUP
            svec = steps_v[pl.ds(base, GROUP)]
            copies = []
            for j in range(GROUP):
                idx = (start + base + j) * NSTEP + svec[j]
                copies.append(
                    pltpu.make_async_copy(table_hbm.at[idx], rows_v.at[j],
                                          sem))
            for c in copies:
                c.start()
            for c in copies:
                c.wait()
            pltpu.sync_copy(rows_v,
                            out_hbm.at[pl.ds(start + base, GROUP)])

    return k(table, steps)


def kernel(embeddings, conditions, steps, weight, lengths):
    table = weight.reshape(BATCH * NSTEP, LENGTH, INPUT_SIZE)
    out = _gather_rows(table, steps.astype(jnp.int32))
    return (out, lengths)

# --- scband reference (transcript-rebuilt; emitter-appended) ---
"""Pipeline reference for scband-denoiser-65798898975314 (READ-ONLY COPY).

The authoritative reference and input builder live on the scoring server;
editing this copy changes nothing except your own understanding.
"""

import jax, jax.numpy as jnp
import numpy as np

BATCH = 4096
STEPS = 10
LENGTH = 20
INPUT_SIZE = 64


def setup_inputs(seed: int = 0) -> dict:
    key = jax.random.key(seed)
    k1, k2, k3, k4 = jax.random.split(key, 4)
    embeddings = jax.random.normal(k1, (BATCH, LENGTH, INPUT_SIZE), dtype=jnp.float32)
    conditions = jax.random.normal(k2, (BATCH, INPUT_SIZE), dtype=jnp.float32)
    steps = jax.random.randint(k3, (BATCH,), 0, STEPS + 1)
    # learned parameter from __init__: weight[batch_size, steps+1, length, input_size]
    weight = jax.random.normal(k4, (BATCH, STEPS + 1, LENGTH, INPUT_SIZE), dtype=jnp.float32)
    # registered buffer: lengths filled with `length`
    lengths = jnp.full((BATCH,), LENGTH, dtype=jnp.int32)
    return {
        "embeddings": embeddings,
        "conditions": conditions,
        "steps": steps,
        "weight": weight,
        "lengths": lengths,
    }


def reference(embeddings, conditions, steps, weight, lengths):
    # torch: self.weight.take_along_dim(steps[:, None, None, None], 1).squeeze(1)
    idx = steps[:, None, None, None]
    result = jnp.take_along_axis(weight, idx, axis=1)
    result = jnp.squeeze(result, axis=1)  # [BATCH, LENGTH, INPUT_SIZE]
    # PaddedBatch(result, lengths) -> represented as a (payload, lengths) tuple
    return (result, lengths)

if __name__ == "__main__":
    import jax
    _d = setup_inputs()
    print(jax.jit(kernel)(*tuple(_d.values())))

</pallas_src>

<mosaic_0001>
#map = affine_map<(d0, d1) -> (0, 0, 0)>
#map1 = affine_map<(d0, d1) -> (0)>
module attributes {stable_mosaic.version = 14 : i64} {
  func.func @k(%arg0: i32, %arg1: i32, %arg2: memref<45056x20x64xf32, #tpu.memory_space<hbm>>, %arg3: memref<4096xi32, #tpu.memory_space<hbm>>, %arg4: memref<4096x20x64xf32, #tpu.memory_space<hbm>>, %arg5: memref<128xi32, #tpu.memory_space<vmem>>, %arg6: memref<16x20x64xf32, #tpu.memory_space<vmem>>, %arg7: memref<!tpu.dma_semaphore, #tpu.memory_space<semaphore_mem>>) attributes {dimension_semantics = [#tpu.dimension_semantics<core_parallel>, #tpu.dimension_semantics<subcore_parallel>], iteration_bounds = array<i64: 2, 16>, scalar_prefetch = 0 : i64, scratch_operands = 3 : i64, tpu.core_type = #tpu.core_type<sc_vector_subcore>, window_params = [{transform_indices = #map}, {transform_indices = #map1}, {transform_indices = #map}]} {
    %mul3A = arith.constant 2 : i32
    %mul3A_0 = arith.muli %arg1, %mul3A : i32
    %add3A = arith.addi %mul3A_0, %arg0 : i32
    %mul3A_1 = arith.constant 128 : i32
    %mul3A_2 = arith.muli %add3A, %mul3A_1 : i32
    "tpu.region"() ({
      %run_scoped3A = tpu.sem_alloc : memref<!tpu.dma_semaphore, #tpu.memory_space<semaphore_mem>>
      %dma_start3A = tpu.memref_slice %arg3[%mul3A_2] : memref<4096xi32, #tpu.memory_space<hbm>> -> memref<128xi32, #tpu.memory_space<hbm>>
      %dma_start3A_7 = tpu.memref_slice %arg3[%mul3A_2] : memref<4096xi32, #tpu.memory_space<hbm>> -> memref<128xi32, #tpu.memory_space<hbm>>
      tpu.enqueue_dma source(%dma_start3A_7 : memref<128xi32, #tpu.memory_space<hbm>>) target(%arg5 : memref<128xi32, #tpu.memory_space<vmem>>) target_semaphore(%run_scoped3A : memref<!tpu.dma_semaphore, #tpu.memory_space<semaphore_mem>>)
      %dma_wait3A = tpu.memref_slice %arg3[%mul3A_2] : memref<4096xi32, #tpu.memory_space<hbm>> -> memref<128xi32, #tpu.memory_space<hbm>>
      %dma_wait3A_8 = tpu.memref_slice %arg3[%mul3A_2] : memref<4096xi32, #tpu.memory_space<hbm>> -> memref<128xi32, #tpu.memory_space<hbm>>
      tpu.wait_dma2 semaphore(%run_scoped3A : memref<!tpu.dma_semaphore, #tpu.memory_space<semaphore_mem>>) src(%dma_wait3A_8 : memref<128xi32, #tpu.memory_space<hbm>>) dst(%arg5 : memref<128xi32, #tpu.memory_space<vmem>>)
      tpu.yield
    }) : () -> ()
    %scan3A = arith.constant 0 : i32
    %scan3A_3 = arith.constant 8 : i32
    %scan3A_4 = arith.addi %scan3A, %scan3A_3 : i32
    %scan3A_5 = arith.constant 1 : i32
    scf.for %scan3A_7 = %scan3A to %scan3A_4 step %scan3A_5  : i32 {
      %mul3A_8 = arith.constant 1 : i32
      %mul3A_9 = arith.muli %scan3A_7, %mul3A_8 : i32
      %add3A_10 = arith.constant 0 : i32
      %add3A_11 = arith.addi %add3A_10, %mul3A_9 : i32
      %mul3A_12 = arith.constant 16 : i32
      %mul3A_13 = arith.muli %add3A_11, %mul3A_12 : i32
      %get3A = arith.index_cast %mul3A_13 : i32 to index
      %get3A_14 = tpu.vector_load %arg5[%get3A] {strides = array<i32>} : memref<128xi32, #tpu.memory_space<vmem>>, vector<16xi32>,
      %get3A_15 = vector.shape_cast %get3A_14 : vector<16xi32> to vector<16xi32>
      %add3A_16 = arith.addi %mul3A_2, %mul3A_13 : i32
      %add3A_17 = arith.constant 0 : i32
      %add3A_18 = arith.addi %add3A_16, %add3A_17 : i32
      %mul3A_19 = arith.constant 11 : i32
      %mul3A_20 = arith.muli %add3A_18, %mul3A_19 : i32
      %slice3A = vector.extract_strided_slice %get3A_15 {offsets = [0], sizes = [1], strides = [1]} : vector<16xi32> to vector<1xi32>
      %squeeze3A = vector.extract %slice3A[0] : i32 from vector<1xi32>
      %add3A_21 = arith.addi %mul3A_20, %squeeze3A : i32
      %add3A_22 = arith.addi %mul3A_2, %mul3A_13 : i32
      %add3A_23 = arith.constant 1 : i32
      %add3A_24 = arith.addi %add3A_22, %add3A_23 : i32
      %mul3A_25 = arith.constant 11 : i32
      %mul3A_26 = arith.muli %add3A_24, %mul3A_25 : i32
      %slice3A_27 = vector.extract_strided_slice %get3A_15 {offsets = [1], sizes = [1], strides = [1]} : vector<16xi32> to vector<1xi32>
      %squeeze3A_28 = vector.extract %slice3A_27[0] : i32 from vector<1xi32>
      %add3A_29 = arith.addi %mul3A_26, %squeeze3A_28 : i32
      %add3A_30 = arith.addi %mul3A_2, %mul3A_13 : i32
      %add3A_31 = arith.constant 2 : i32
      %add3A_32 = arith.addi %add3A_30, %add3A_31 : i32
      %mul3A_33 = arith.constant 11 : i32
      %mul3A_34 = arith.muli %add3A_32, %mul3A_33 : i32
      %slice3A_35 = vector.extract_strided_slice %get3A_15 {offsets = [2], sizes = [1], strides = [1]} : vector<16xi32> to vector<1xi32>
      %squeeze3A_36 = vector.extract %slice3A_35[0] : i32 from vector<1xi32>
      %add3A_37 = arith.addi %mul3A_34, %squeeze3A_36 : i32
      %add3A_38 = arith.addi %mul3A_2, %mul3A_13 : i32
      %add3A_39 = arith.constant 3 : i32
      %add3A_40 = arith.addi %add3A_38, %add3A_39 : i32
      %mul3A_41 = arith.constant 11 : i32
      %mul3A_42 = arith.muli %add3A_40, %mul3A_41 : i32
      %slice3A_43 = vector.extract_strided_slice %get3A_15 {offsets = [3], sizes = [1], strides = [1]} : vector<16xi32> to vector<1xi32>
      %squeeze3A_44 = vector.extract %slice3A_43[0] : i32 from vector<1xi32>
      %add3A_45 = arith.addi %mul3A_42, %squeeze3A_44 : i32
      %add3A_46 = arith.addi %mul3A_2, %mul3A_13 : i32
      %add3A_47 = arith.constant 4 : i32
      %add3A_48 = arith.addi %add3A_46, %add3A_47 : i32
      %mul3A_49 = arith.constant 11 : i32
      %mul3A_50 = arith.muli %add3A_48, %mul3A_49 : i32
      %slice3A_51 = vector.extract_strided_slice %get3A_15 {offsets = [4], sizes = [1], strides = [1]} : vector<16xi32> to vector<1xi32>
      %squeeze3A_52 = vector.extract %slice3A_51[0] : i32 from vector<1xi32>
      %add3A_53 = arith.addi %mul3A_50, %squeeze3A_52 : i32
      %add3A_54 = arith.addi %mul3A_2, %mul3A_13 : i32
      %add3A_55 = arith.constant 5 : i32
      %add3A_56 = arith.addi %add3A_54, %add3A_55 : i32
      %mul3A_57 = arith.constant 11 : i32
      %mul3A_58 = arith.muli %add3A_56, %mul3A_57 : i32
      %slice3A_59 = vector.extract_strided_slice %get3A_15 {offsets = [5], sizes = [1], strides = [1]} : vector<16xi32> to vector<1xi32>
      %squeeze3A_60 = vector.extract %slice3A_59[0] : i32 from vector<1xi32>
      %add3A_61 = arith.addi %mul3A_58, %squeeze3A_60 : i32
      %add3A_62 = arith.addi %mul3A_2, %mul3A_13 : i32
      %add3A_63 = arith.constant 6 : i32
      %add3A_64 = arith.addi %add3A_62, %add3A_63 : i32
      %mul3A_65 = arith.constant 11 : i32
      %mul3A_66 = arith.muli %add3A_64, %mul3A_65 : i32
      %slice3A_67 = vector.extract_strided_slice %get3A_15 {offsets = [6], sizes = [1], strides = [1]} : vector<16xi32> to vector<1xi32>
      %squeeze3A_68 = vector.extract %slice3A_67[0] : i32 from vector<1xi32>
      %add3A_69 = arith.addi %mul3A_66, %squeeze3A_68 : i32
      %add3A_70 = arith.addi %mul3A_2, %mul3A_13 : i32
      %add3A_71 = arith.constant 7 : i32
      %add3A_72 = arith.addi %add3A_70, %add3A_71 : i32
      %mul3A_73 = arith.constant 11 : i32
      %mul3A_74 = arith.muli %add3A_72, %mul3A_73 : i32
      %slice3A_75 = vector.extract_strided_slice %get3A_15 {offsets = [7], sizes = [1], strides = [1]} : vector<16xi32> to vector<1xi32>
      %squeeze3A_76 = vector.extract %slice3A_75[0] : i32 from vector<1xi32>
      %add3A_77 = arith.addi %mul3A_74, %squeeze3A_76 : i32
      %add3A_78 = arith.addi %mul3A_2, %mul3A_13 : i32
      %add3A_79 = arith.constant 8 : i32
      %add3A_80 = arith.addi %add3A_78, %add3A_79 : i32
      %mul3A_81 = arith.constant 11 : i32
      %mul3A_82 = arith.muli %add3A_80, %mul3A_81 : i32
      %slice3A_83 = vector.extract_strided_slice %get3A_15 {offsets = [8], sizes = [1], strides = [1]} : vector<16xi32> to vector<1xi32>
      %squeeze3A_84 = vector.extract %slice3A_83[0] : i32 from vector<1xi32>
      %add3A_85 = arith.addi %mul3A_82, %squeeze3A_84 : i32
      %add3A_86 = arith.addi %mul3A_2, %mul3A_13 : i32
      %add3A_87 = arith.constant 9 : i32
      %add3A_88 = arith.addi %add3A_86, %add3A_87 : i32
      %mul3A_89 = arith.constant 11 : i32
      %mul3A_90 = arith.muli %add3A_88, %mul3A_89 : i32
      %slice3A_91 = vector.extract_strided_slice %get3A_15 {offsets = [9], sizes = [1], strides = [1]} : vector<16xi32> to vector<1xi32>
      %squeeze3A_92 = vector.extract %slice3A_91[0] : i32 from vector<1xi32>
      %add3A_93 = arith.addi %mul3A_90, %squeeze3A_92 : i32
      %add3A_94 = arith.addi %mul3A_2, %mul3A_13 : i32
      %add3A_95 = arith.constant 10 : i32
      %add3A_96 = arith.addi %add3A_94, %add3A_95 : i32
      %mul3A_97 = arith.constant 11 : i32
      %mul3A_98 = arith.muli %add3A_96, %mul3A_97 : i32
      %slice3A_99 = vector.extract_strided_slice %get3A_15 {offsets = [10], sizes = [1], strides = [1]} : vector<16xi32> to vector<1xi32>
      %squeeze3A_100 = vector.extract %slice3A_99[0] : i32 from vector<1xi32>
      %add3A_101 = arith.addi %mul3A_98, %squeeze3A_100 : i32
      %add3A_102 = arith.addi %mul3A_2, %mul3A_13 : i32
      %add3A_103 = arith.constant 11 : i32
      %add3A_104 = arith.addi %add3A_102, %add3A_103 : i32
      %mul3A_105 = arith.constant 11 : i32
      %mul3A_106 = arith.muli %add3A_104, %mul3A_105 : i32
      %slice3A_107 = vector.extract_strided_slice %get3A_15 {offsets = [11], sizes = [1], strides = [1]} : vector<16xi32> to vector<1xi32>
      %squeeze3A_108 = vector.extract %slice3A_107[0] : i32 from vector<1xi32>
      %add3A_109 = arith.addi %mul3A_106, %squeeze3A_108 : i32
      %add3A_110 = arith.addi %mul3A_2, %mul3A_13 : i32
      %add3A_111 = arith.constant 12 : i32
      %add3A_112 = arith.addi %add3A_110, %add3A_111 : i32
      %mul3A_113 = arith.constant 11 : i32
      %mul3A_114 = arith.muli %add3A_112, %mul3A_113 : i32
      %slice3A_115 = vector.extract_strided_slice %get3A_15 {offsets = [12], sizes = [1], strides = [1]} : vector<16xi32> to vector<1xi32>
      %squeeze3A_116 = vector.extract %slice3A_115[0] : i32 from vector<1xi32>
      %add3A_117 = arith.addi %mul3A_114, %squeeze3A_116 : i32
      %add3A_118 = arith.addi %mul3A_2, %mul3A_13 : i32
      %add3A_119 = arith.constant 13 : i32
      %add3A_120 = arith.addi %add3A_118, %add3A_119 : i32
      %mul3A_121 = arith.constant 11 : i32
      %mul3A_122 = arith.muli %add3A_120, %mul3A_121 : i32
      %slice3A_123 = vector.extract_strided_slice %get3A_15 {offsets = [13], sizes = [1], strides = [1]} : vector<16xi32> to vector<1xi32>
      %squeeze3A_124 = vector.extract %slice3A_123[0] : i32 from vector<1xi32>
      %add3A_125 = arith.addi %mul3A_122, %squeeze3A_124 : i32
      %add3A_126 = arith.addi %mul3A_2, %mul3A_13 : i32
      %add3A_127 = arith.constant 14 : i32
      %add3A_128 = arith.addi %add3A_126, %add3A_127 : i32
      %mul3A_129 = arith.constant 11 : i32
      %mul3A_130 = arith.muli %add3A_128, %mul3A_129 : i32
      %slice3A_131 = vector.extract_strided_slice %get3A_15 {offsets = [14], sizes = [1], strides = [1]} : vector<16xi32> to vector<1xi32>
      %squeeze3A_132 = vector.extract %slice3A_131[0] : i32 from vector<1xi32>
      %add3A_133 = arith.addi %mul3A_130, %squeeze3A_132 : i32
      %add3A_134 = arith.addi %mul3A_2, %mul3A_13 : i32
      %add3A_135 = arith.constant 15 : i32
      %add3A_136 = arith.addi %add3A_134, %add3A_135 : i32
      %mul3A_137 = arith.constant 11 : i32
      %mul3A_138 = arith.muli %add3A_136, %mul3A_137 : i32
      %slice3A_139 = vector.extract_strided_slice %get3A_15 {offsets = [15], sizes = [1], strides = [1]} : vector<16xi32> to vector<1xi32>
      %squeeze3A_140 = vector.extract %slice3A_139[0] : i32 from vector<1xi32>
      %add3A_141 = arith.addi %mul3A_138, %squeeze3A_140 : i32
      %dma_start3A = arith.constant 0 : i32
      %dma_start3A_142 = arith.constant 0 : i32
      %dma_start3A_143 = arith.constant 0 : i32
      %dma_start3A_144 = tpu.memref_slice %arg6[%dma_start3A, %dma_start3A_142, %dma_start3A_143] : memref<16x20x64xf32, #tpu.memory_space<vmem>> -> memref<1x20x64xf32, #tpu.memory_space<vmem>>
      %dma_start3A_145 = tpu.memref_squeeze %dma_start3A_144 : memref<1x20x64xf32, #tpu.memory_space<vmem>> -> memref<20x64xf32, #tpu.memory_space<vmem>>
      %dma_start3A_146 = arith.constant 0 : i32
      %dma_start3A_147 = arith.constant 0 : i32
      %dma_start3A_148 = tpu.memref_slice %arg2[%add3A_21, %dma_start3A_146, %dma_start3A_147] : memref<45056x20x64xf32, #tpu.memory_space<hbm>> -> memref<1x20x64xf32, #tpu.memory_space<hbm>>
      %dma_start3A_149 = tpu.memref_squeeze %dma_start3A_148 : memref<1x20x64xf32, #tpu.memory_space<hbm>> -> memref<20x64xf32, #tpu.memory_space<hbm>>
      %dma_start3A_150 = arith.constant 0 : i32
      %dma_start3A_151 = arith.constant 0 : i32
      %dma_start3A_152 = tpu.memref_slice %arg6[%dma_start3A, %dma_start3A_150, %dma_start3A_151] : memref<16x20x64xf32, #tpu.memory_space<vmem>> -> memref<1x20x64xf32, #tpu.memory_space<vmem>>
      %dma_start3A_153 = tpu.memref_squeeze %dma_start3A_152 : memref<1x20x64xf32, #tpu.memory_space<vmem>> -> memref<20x64xf32, #tpu.memory_space<vmem>>
      %dma_start3A_154 = arith.constant 0 : i32
      %dma_start3A_155 = arith.constant 0 : i32
      %dma_start3A_156 = tpu.memref_slice %arg2[%add3A_21, %dma_start3A_154, %dma_start3A_155] : memref<45056x20x64xf32, #tpu.memory_space<hbm>> -> memref<1x20x64xf32, #tpu.memory_space<hbm>>
      %dma_start3A_157 = tpu.memref_squeeze %dma_start3A_156 : memref<1x20x64xf32, #tpu.memory_space<hbm>> -> memref<20x64xf32, #tpu.memory_space<hbm>>
      tpu.enqueue_dma source(%dma_start3A_157 : memref<20x64xf32, #tpu.memory_space<hbm>>) target(%dma_start3A_153 : memref<20x64xf32, #tpu.memory_space<vmem>>) target_semaphore(%arg7 : memref<!tpu.dma_semaphore, #tpu.memory_space<semaphore_mem>>)
      %dma_start3A_158 = arith.constant 1 : i32
      %dma_start3A_159 = arith.constant 0 : i32
      %dma_start3A_160 = arith.constant 0 : i32
      %dma_start3A_161 = tpu.memref_slice %arg6[%dma_start3A_158, %dma_start3A_159, %dma_start3A_160] : memref<16x20x64xf32, #tpu.memory_space<vmem>> -> memref<1x20x64xf32, #tpu.memory_space<vmem>>
      %dma_start3A_162 = tpu.memref_squeeze %dma_start3A_161 : memref<1x20x64xf32, #tpu.memory_space<vmem>> -> memref<20x64xf32, #tpu.memory_space<vmem>>
      %dma_start3A_163 = arith.constant 0 : i32
      %dma_start3A_164 = arith.constant 0 : i32
      %dma_start3A_165 = tpu.memref_slice %arg2[%add3A_29, %dma_start3A_163, %dma_start3A_164] : memref<45056x20x64xf32, #tpu.memory_space<hbm>> -> memref<1x20x64xf32, #tpu.memory_space<hbm>>
      %dma_start3A_166 = tpu.memref_squeeze %dma_start3A_165 : memref<1x20x64xf32, #tpu.memory_space<hbm>> -> memref<20x64xf32, #tpu.memory_space<hbm>>
      %dma_start3A_167 = arith.constant 0 : i32
      %dma_start3A_168 = arith.constant 0 : i32
      %dma_start3A_169 = tpu.memref_slice %arg6[%dma_start3A_158, %dma_start3A_167, %dma_start3A_168] : memref<16x20x64xf32, #tpu.memory_space<vmem>> -> memref<1x20x64xf32, #tpu.memory_space<vmem>>
      %dma_start3A_170 = tpu.memref_squeeze %dma_start3A_169 : memref<1x20x64xf32, #tpu.memory_space<vmem>> -> memref<20x64xf32, #tpu.memory_space<vmem>>
      %dma_start3A_171 = arith.constant 0 : i32
      %dma_start3A_172 = arith.constant 0 : i32
      %dma_start3A_173 = tpu.memref_slice %arg2[%add3A_29, %dma_start3A_171, %dma_start3A_172] : memref<45056x20x64xf32, #tpu.memory_space<hbm>> -> memref<1x20x64xf32, #tpu.memory_space<hbm>>
      %dma_start3A_174 = tpu.memref_squeeze %dma_start3A_173 : memref<1x20x64xf32, #tpu.memory_space<hbm>> -> memref<20x64xf32, #tpu.memory_space<hbm>>
      tpu.enqueue_dma source(%dma_start3A_174 : memref<20x64xf32, #tpu.memory_space<hbm>>) target(%dma_start3A_170 : memref<20x64xf32, #tpu.memory_space<vmem>>) target_semaphore(%arg7 : memref<!tpu.dma_semaphore, #tpu.memory_space<semaphore_mem>>)
      %dma_start3A_175 = arith.constant 2 : i32
      %dma_start3A_176 = arith.constant 0 : i32
      %dma_start3A_177 = arith.constant 0 : i32
      %dma_start3A_178 = tpu.memref_slice %arg6[%dma_start3A_175, %dma_start3A_176, %dma_start3A_177] : memref<16x20x64xf32, #tpu.memory_space<vmem>> -> memref<1x20x64xf32, #tpu.memory_space<vmem>>
      %dma_start3A_179 = tpu.memref_squeeze %dma_start3A_178 : memref<1x20x64xf32, #tpu.memory_space<vmem>> -> memref<20x64xf32, #tpu.memory_space<vmem>>
      %dma_start3A_180 = arith.constant 0 : i32
      %dma_start3A_181 = arith.constant 0 : i32
      %dma_start3A_182 = tpu.memref_slice %arg2[%add3A_37, %dma_start3A_180, %dma_start3A_181] : memref<45056x20x64xf32, #tpu.memory_space<hbm>> -> memref<1x20x64xf32, #tpu.memory_space<hbm>>
      %dma_start3A_183 = tpu.memref_squeeze %dma_start3A_182 : memref<1x20x64xf32, #tpu.memory_space<hbm>> -> memref<20x64xf32, #tpu.memory_space<hbm>>
      %dma_start3A_184 = arith.constant 0 : i32
      %dma_start3A_185 = arith.constant 0 : i32
      %dma_start3A_186 = tpu.memref_slice %arg6[%dma_start3A_175, %dma_start3A_184, %dma_start3A_185] : memref<16x20x64xf32, #tpu.memory_space<vmem>> -> memref<1x20x64xf32, #tpu.memory_space<vmem>>
      %dma_start3A_187 = tpu.memref_squeeze %dma_start3A_186 : memref<1x20x64xf32, #tpu.memory_space<vmem>> -> memref<20x64xf32, #tpu.memory_space<vmem>>
      %dma_start3A_188 = arith.constant 0 : i32
      %dma_start3A_189 = arith.constant 0 : i32
      %dma_start3A_190 = tpu.memref_slice %arg2[%add3A_37, %dma_start3A_188, %dma_start3A_189] : memref<45056x20x64xf32, #tpu.memory_space<hbm>> -> memref<1x20x64xf32, #tpu.memory_space<hbm>>
      %dma_start3A_191 = tpu.memref_squeeze %dma_start3A_190 : memref<1x20x64xf32, #tpu.memory_space<hbm>> -> memref<20x64xf32, #tpu.memory_space<hbm>>
      tpu.enqueue_dma source(%dma_start3A_191 : memref<20x64xf32, #tpu.memory_space<hbm>>) target(%dma_start3A_187 : memref<20x64xf32, #tpu.memory_space<vmem>>) target_semaphore(%arg7 : memref<!tpu.dma_semaphore, #tpu.memory_space<semaphore_mem>>)
      %dma_start3A_192 = arith.constant 3 : i32
      %dma_start3A_193 = arith.constant 0 : i32
      %dma_start3A_194 = arith.constant 0 : i32
      %dma_start3A_195 = tpu.memref_slice %arg6[%dma_start3A_192, %dma_start3A_193, %dma_start3A_194] : memref<16x20x64xf32, #tpu.memory_space<vmem>> -> memref<1x20x64xf32, #tpu.memory_space<vmem>>
      %dma_start3A_196 = tpu.memref_squeeze %dma_start3A_195 : memref<1x20x64xf32, #tpu.memory_space<vmem>> -> memref<20x64xf32, #tpu.memory_space<vmem>>
      %dma_start3A_197 = arith.constant 0 : i32
      %dma_start3A_198 = arith.constant 0 : i32
      %dma_start3A_199 = tpu.memref_slice %arg2[%add3A_45, %dma_start3A_197, %dma_start3A_198] : memref<45056x20x64xf32, #tpu.memory_space<hbm>> -> memref<1x20x64xf32, #tpu.memory_space<hbm>>
      %dma_start3A_200 = tpu.memref_squeeze %dma_start3A_199 : memref<1x20x64xf32, #tpu.memory_space<hbm>> -> memref<20x64xf32, #tpu.memory_space<hbm>>
      %dma_start3A_201 = arith.constant 0 : i32
      %dma_start3A_202 = arith.constant 0 : i32
      %dma_start3A_203 = tpu.memref_slice %arg6[%dma_start3A_192, %dma_start3A_201, %dma_start3A_202] : memref<16x20x64xf32, #tpu.memory_space<vmem>> -> memref<1x20x64xf32, #tpu.memory_space<vmem>>
      %dma_start3A_204 = tpu.memref_squeeze %dma_start3A_203 : memref<1x20x64xf32, #tpu.memory_space<vmem>> -> memref<20x64xf32, #tpu.memory_space<vmem>>
      %dma_start3A_205 = arith.constant 0 : i32
      %dma_start3A_206 = arith.constant 0 : i32
      %dma_start3A_207 = tpu.memref_slice %arg2[%add3A_45, %dma_start3A_205, %dma_start3A_206] : memref<45056x20x64xf32, #tpu.memory_space<hbm>> -> memref<1x20x64xf32, #tpu.memory_space<hbm>>
      %dma_start3A_208 = tpu.memref_squeeze %dma_start3A_207 : memref<1x20x64xf32, #tpu.memory_space<hbm>> -> memref<20x64xf32, #tpu.memory_space<hbm>>
      tpu.enqueue_dma source(%dma_start3A_208 : memref<20x64xf32, #tpu.memory_space<hbm>>) target(%dma_start3A_204 : memref<20x64xf32, #tpu.memory_space<vmem>>) target_semaphore(%arg7 : memref<!tpu.dma_semaphore, #tpu.memory_space<semaphore_mem>>)
      %dma_start3A_209 = arith.constant 4 : i32
      %dma_start3A_210 = arith.constant 0 : i32
      %dma_start3A_211 = arith.constant 0 : i32
      %dma_start3A_212 = tpu.memref_slice %arg6[%dma_start3A_209, %dma_start3A_210, %dma_start3A_211] : memref<16x20x64xf32, #tpu.memory_space<vmem>> -> memref<1x20x64xf32, #tpu.memory_space<vmem>>
      %dma_start3A_213 = tpu.memref_squeeze %dma_start3A_212 : memref<1x20x64xf32, #tpu.memory_space<vmem>> -> memref<20x64xf32, #tpu.memory_space<vmem>>
      %dma_start3A_214 = arith.constant 0 : i32
      %dma_start3A_215 = arith.constant 0 : i32
      %dma_start3A_216 = tpu.memref_slice %arg2[%add3A_53, %dma_start3A_214, %dma_start3A_215] : memref<45056x20x64xf32, #tpu.memory_space<hbm>> -> memref<1x20x64xf32, #tpu.memory_space<hbm>>
      %dma_start3A_217 = tpu.memref_squeeze %dma_start3A_216 : memref<1x20x64xf32, #tpu.memory_space<hbm>> -> memref<20x64xf32, #tpu.memory_space<hbm>>
      %dma_start3A_218 = arith.constant 0 : i32
      %dma_start3A_219 = arith.constant 0 : i32
      %dma_start3A_220 = tpu.memref_slice %arg6[%dma_start3A_209, %dma_start3A_218, %dma_start3A_219] : memref<16x20x64xf32, #tpu.memory_space<vmem>> -> memref<1x20x64xf32, #tpu.memory_space<vmem>>
      %dma_start3A_221 = tpu.memref_squeeze %dma_start3A_220 : memref<1x20x64xf32, #tpu.memory_space<vmem>> -> memref<20x64xf32, #tpu.memory_space<vmem>>
      %dma_start3A_222 = arith.constant 0 : i32
      %dma_start3A_223 = arith.constant 0 : i32
      %dma_start3A_224 = tpu.memref_slice %arg2[%add3A_53, %dma_start3A_222, %dma_start3A_223] : memref<45056x20x64xf32, #tpu.memory_space<hbm>> -> memref<1x20x64xf32, #tpu.memory_space<hbm>>
      %dma_start3A_225 = tpu.memref_squeeze %dma_start3A_224 : memref<1x20x64xf32, #tpu.memory_space<hbm>> -> memref<20x64xf32, #tpu.memory_space<hbm>>
      tpu.enqueue_dma source(%dma_start3A_225 : memref<20x64xf32, #tpu.memory_space<hbm>>) target(%dma_start3A_221 : memref<20x64xf32, #tpu.memory_space<vmem>>) target_semaphore(%arg7 : memref<!tpu.dma_semaphore, #tpu.memory_space<semaphore_mem>>)
      %dma_start3A_226 = arith.constant 5 : i32
      %dma_start3A_227 = arith.constant 0 : i32
      %dma_start3A_228 = arith.constant 0 : i32
      %dma_start3A_229 = tpu.memref_slice %arg6[%dma_start3A_226, %dma_start3A_227, %dma_start3A_228] : memref<16x20x64xf32, #tpu.memory_space<vmem>> -> memref<1x20x64xf32, #tpu.memory_space<vmem>>
      %dma_start3A_230 = tpu.memref_squeeze %dma_start3A_229 : memref<1x20x64xf32, #tpu.memory_space<vmem>> -> memref<20x64xf32, #tpu.memory_space<vmem>>
      %dma_start3A_231 = arith.constant 0 : i32
      %dma_start3A_232 = arith.constant 0 : i32
      %dma_start3A_233 = tpu.memref_slice %arg2[%add3A_61, %dma_start3A_231, %dma_start3A_232] : memref<45056x20x64xf32, #tpu.memory_space<hbm>> -> memref<1x20x64xf32, #tpu.memory_space<hbm>>
      %dma_start3A_234 = tpu.memref_squeeze %dma_start3A_233 : memref<1x20x64xf32, #tpu.memory_space<hbm>> -> memref<20x64xf32, #tpu.memory_space<hbm>>
      %dma_start3A_235 = arith.constant 0 : i32
      %dma_start3A_236 = arith.constant 0 : i32
      %dma_start3A_237 = tpu.memref_slice %arg6[%dma_start3A_226, %dma_start3A_235, %dma_start3A_236] : memref<16x20x64xf32, #tpu.memory_space<vmem>> -> memref<1x20x64xf32, #tpu.memory_space<vmem>>
      %dma_start3A_238 = tpu.memref_squeeze %dma_start3A_237 : memref<1x20x64xf32, #tpu.memory_space<vmem>> -> memref<20x64xf32, #tpu.memory_space<vmem>>
      %dma_start3A_239 = arith.constant 0 : i32
      %dma_start3A_240 = arith.constant 0 : i32
      %dma_start3A_241 = tpu.memref_slice %arg2[%add3A_61, %dma_start3A_239, %dma_start3A_240] : memref<45056x20x64xf32, #tpu.memory_space<hbm>> -> memref<1x20x64xf32, #tpu.memory_space<hbm>>
      %dma_start3A_242 = tpu.memref_squeeze %dma_start3A_241 : memref<1x20x64xf32, #tpu.memory_space<hbm>> -> memref<20x64xf32, #tpu.memory_space<hbm>>
      tpu.enqueue_dma source(%dma_start3A_242 : memref<20x64xf32, #tpu.memory_space<hbm>>) target(%dma_start3A_238 : memref<20x64xf32, #tpu.memory_space<vmem>>) target_semaphore(%arg7 : memref<!tpu.dma_semaphore, #tpu.memory_space<semaphore_mem>>)
      %dma_start3A_243 = arith.constant 6 : i32
      %dma_start3A_244 = arith.constant 0 : i32
      %dma_start3A_245 = arith.constant 0 : i32
      %dma_start3A_246 = tpu.memref_slice %arg6[%dma_start3A_243, %dma_start3A_244, %dma_start3A_245] : memref<16x20x64xf32, #tpu.memory_space<vmem>> -> memref<1x20x64xf32, #tpu.memory_space<vmem>>
      %dma_start3A_247 = tpu.memref_squeeze %dma_start3A_246 : memref<1x20x64xf32, #tpu.memory_space<vmem>> -> memref<20x64xf32, #tpu.memory_space<vmem>>
      %dma_start3A_248 = arith.constant 0 : i32
      %dma_start3A_249 = arith.constant 0 : i32
      %dma_start3A_250 = tpu.memref_slice %arg2[%add3A_69, %dma_start3A_248, %dma_start3A_249] : memref<45056x20x64xf32, #tpu.memory_space<hbm>> -> memref<1x20x64xf32, #tpu.memory_space<hbm>>
      %dma_start3A_251 = tpu.memref_squeeze %dma_start3A_250 : memref<1x20x64xf32, #tpu.memory_space<hbm>> -> memref<20x64xf32, #tpu.memory_space<hbm>>
      %dma_start3A_252 = arith.constant 0 : i32
      %dma_start3A_253 = arith.constant 0 : i32
      %dma_start3A_254 = tpu.memref_slice %arg6[%dma_start3A_243, %dma_start3A_252, %dma_start3A_253] : memref<16x20x64xf32, #tpu.memory_space<vmem>> -> memref<1x20x64xf32, #tpu.memory_space<vmem>>
      %dma_start3A_255 = tpu.memref_squeeze %dma_start3A_254 : memref<1x20x64xf32, #tpu.memory_space<vmem>> -> memref<20x64xf32, #tpu.memory_space<vmem>>
      %dma_start3A_256 = arith.constant 0 : i32
      %dma_start3A_257 = arith.constant 0 : i32
      %dma_start3A_258 = tpu.memref_slice %arg2[%add3A_69, %dma_start3A_256, %dma_start3A_257] : memref<45056x20x64xf32, #tpu.memory_space<hbm>> -> memref<1x20x64xf32, #tpu.memory_space<hbm>>
      %dma_start3A_259 = tpu.memref_squeeze %dma_start3A_258 : memref<1x20x64xf32, #tpu.memory_space<hbm>> -> memref<20x64xf32, #tpu.memory_space<hbm>>
      tpu.enqueue_dma source(%dma_start3A_259 : memref<20x64xf32, #tpu.memory_space<hbm>>) target(%dma_start3A_255 : memref<20x64xf32, #tpu.memory_space<vmem>>) target_semaphore(%arg7 : memref<!tpu.dma_semaphore, #tpu.memory_space<semaphore_mem>>)
      %dma_start3A_260 = arith.constant 7 : i32
      %dma_start3A_261 = arith.constant 0 : i32
      %dma_start3A_262 = arith.constant 0 : i32
      %dma_start3A_263 = tpu.memref_slice %arg6[%dma_start3A_260, %dma_start3A_261, %dma_start3A_262] : memref<16x20x64xf32, #tpu.memory_space<vmem>> -> memref<1x20x64xf32, #tpu.memory_space<vmem>>
      %dma_start3A_264 = tpu.memref_squeeze %dma_start3A_263 : memref<1x20x64xf32, #tpu.memory_space<vmem>> -> memref<20x64xf32, #tpu.memory_space<vmem>>
      %dma_start3A_265 = arith.constant 0 : i32
      %dma_start3A_266 = arith.constant 0 : i32
      %dma_start3A_267 = tpu.memref_slice %arg2[%add3A_77, %dma_start3A_265, %dma_start3A_266] : memref<45056x20x64xf32, #tpu.memory_space<hbm>> -> memref<1x20x64xf32, #tpu.memory_space<hbm>>
      %dma_start3A_268 = tpu.memref_squeeze %dma_start3A_267 : memref<1x20x64xf32, #tpu.memory_space<hbm>> -> memref<20x64xf32, #tpu.memory_space<hbm>>
      %dma_start3A_269 = arith.constant 0 : i32
      %dma_start3A_270 = arith.constant 0 : i32
      %dma_start3A_271 = tpu.memref_slice %arg6[%dma_start3A_260, %dma_start3A_269, %dma_start3A_270] : memref<16x20x64xf32, #tpu.memory_space<vmem>> -> memref<1x20x64xf32, #tpu.memory_space<vmem>>
      %dma_start3A_272 = tpu.memref_squeeze %dma_start3A_271 : memref<1x20x64xf32, #tpu.memory_space<vmem>> -> memref<20x64xf32, #tpu.memory_space<vmem>>
      %dma_start3A_273 = arith.constant 0 : i32
      %dma_start3A_274 = arith.constant 0 : i32
      %dma_start3A_275 = tpu.memref_slice %arg2[%add3A_77, %dma_start3A_273, %dma_start3A_274] : memref<45056x20x64xf32, #tpu.memory_space<hbm>> -> memref<1x20x64xf32, #tpu.memory_space<hbm>>
      %dma_start3A_276 = tpu.memref_squeeze %dma_start3A_275 : memref<1x20x64xf32, #tpu.memory_space<hbm>> -> memref<20x64xf32, #tpu.memory_space<hbm>>
      tpu.enqueue_dma source(%dma_start3A_276 : memref<20x64xf32, #tpu.memory_space<hbm>>) target(%dma_start3A_272 : memref<20x64xf32, #tpu.memory_space<vmem>>) target_semaphore(%arg7 : memref<!tpu.dma_semaphore, #tpu.memory_space<semaphore_mem>>)
      %dma_start3A_277 = arith.constant 8 : i32
      %dma_start3A_278 = arith.constant 0 : i32
      %dma_start3A_279 = arith.constant 0 : i32
      %dma_start3A_280 = tpu.memref_slice %arg6[%dma_start3A_277, %dma_start3A_278, %dma_start3A_279] : memref<16x20x64xf32, #tpu.memory_space<vmem>> -> memref<1x20x64xf32, #tpu.memory_space<vmem>>
      %dma_start3A_281 = tpu.memref_squeeze %dma_start3A_280 : memref<1x20x64xf32, #tpu.memory_space<vmem>> -> memref<20x64xf32, #tpu.memory_space<vmem>>
      %dma_start3A_282 = arith.constant 0 : i32
      %dma_start3A_283 = arith.constant 0 : i32
      %dma_start3A_284 = tpu.memref_slice %arg2[%add3A_85, %dma_start3A_282, %dma_start3A_283] : memref<45056x20x64xf32, #tpu.memory_space<hbm>> -> memref<1x20x64xf32, #tpu.memory_space<hbm>>
      %dma_start3A_285 = tpu.memref_squeeze %dma_start3A_284 : memref<1x20x64xf32, #tpu.memory_space<hbm>> -> memref<20x64xf32, #tpu.memory_space<hbm>>
      %dma_start3A_286 = arith.constant 0 : i32
      %dma_start3A_287 = arith.constant 0 : i32
      %dma_start3A_288 = tpu.memref_slice %arg6[%dma_start3A_277, %dma_start3A_286, %dma_start3A_287] : memref<16x20x64xf32, #tpu.memory_space<vmem>> -> memref<1x20x64xf32, #tpu.memory_space<vmem>>
      %dma_start3A_289 = tpu.memref_squeeze %dma_start3A_288 : memref<1x20x64xf32, #tpu.memory_space<vmem>> -> memref<20x64xf32, #tpu.memory_space<vmem>>
      %dma_start3A_290 = arith.constant 0 : i32
      %dma_start3A_291 = arith.constant 0 : i32
      %dma_start3A_292 = tpu.memref_slice %arg2[%add3A_85, %dma_start3A_290, %dma_start3A_291] : memref<45056x20x64xf32, #tpu.memory_space<hbm>> -> memref<1x20x64xf32, #tpu.memory_space<hbm>>
      %dma_start3A_293 = tpu.memref_squeeze %dma_start3A_292 : memref<1x20x64xf32, #tpu.memory_space<hbm>> -> memref<20x64xf32, #tpu.memory_space<hbm>>
      tpu.enqueue_dma source(%dma_start3A_293 : memref<20x64xf32, #tpu.memory_space<hbm>>) target(%dma_start3A_289 : memref<20x64xf32, #tpu.memory_space<vmem>>) target_semaphore(%arg7 : memref<!tpu.dma_semaphore, #tpu.memory_space<semaphore_mem>>)
      %dma_start3A_294 = arith.constant 9 : i32
      %dma_start3A_295 = arith.constant 0 : i32
      %dma_start3A_296 = arith.constant 0 : i32
      %dma_start3A_297 = tpu.memref_slice %arg6[%dma_start3A_294, %dma_start3A_295, %dma_start3A_296] : memref<16x20x64xf32, #tpu.memory_space<vmem>> -> memref<1x20x64xf32, #tpu.memory_space<vmem>>
      %dma_start3A_298 = tpu.memref_squeeze %dma_start3A_297 : memref<1x20x64xf32, #tpu.memory_space<vmem>> -> memref<20x64xf32, #tpu.memory_space<vmem>>
      %dma_start3A_299 = arith.constant 0 : i32
      %dma_start3A_300 = arith.constant 0 : i32
      %dma_start3A_301 = tpu.memref_slice %arg2[%add3A_93, %dma_start3A_299, %dma_start3A_300] : memref<45056x20x64xf32, #tpu.memory_space<hbm>> -> memref<1x20x64xf32, #tpu.memory_space<hbm>>
      %dma_start3A_302 = tpu.memref_squeeze %dma_start3A_301 : memref<1x20x64xf32, #tpu.memory_space<hbm>> -> memref<20x64xf32, #tpu.memory_space<hbm>>
      %dma_start3A_303 = arith.constant 0 : i32
      %dma_start3A_304 = arith.constant 0 : i32
      %dma_start3A_305 = tpu.memref_slice %arg6[%dma_start3A_294, %dma_start3A_303, %dma_start3A_304] : memref<16x20x64xf32, #tpu.memory_space<vmem>> -> memref<1x20x64xf32, #tpu.memory_space<vmem>>
      %dma_start3A_306 = tpu.memref_squeeze %dma_start3A_305 : memref<1x20x64xf32, #tpu.memory_space<vmem>> -> memref<20x64xf32, #tpu.memory_space<vmem>>
      %dma_start3A_307 = arith.constant 0 : i32
      %dma_start3A_308 = arith.constant 0 : i32
      %dma_start3A_309 = tpu.memref_slice %arg2[%add3A_93, %dma_start3A_307, %dma_start3A_308] : memref<45056x20x64xf32, #tpu.memory_space<hbm>> -> memref<1x20x64xf32, #tpu.memory_space<hbm>>
      %dma_start3A_310 = tpu.memref_squeeze %dma_start3A_309 : memref<1x20x64xf32, #tpu.memory_space<hbm>> -> memref<20x64xf32, #tpu.memory_space<hbm>>
      tpu.enqueue_dma source(%dma_start3A_310 : memref<20x64xf32, #tpu.memory_space<hbm>>) target(%dma_start3A_306 : memref<20x64xf32, #tpu.memory_space<vmem>>) target_semaphore(%arg7 : memref<!tpu.dma_semaphore, #tpu.memory_space<semaphore_mem>>)
      %dma_start3A_311 = arith.constant 10 : i32
      %dma_start3A_312 = arith.constant 0 : i32
      %dma_start3A_313 = arith.constant 0 : i32
      %dma_start3A_314 = tpu.memref_slice %arg6[%dma_start3A_311, %dma_start3A_312, %dma_start3A_313] : memref<16x20x64xf32, #tpu.memory_space<vmem>> -> memref<1x20x64xf32, #tpu.memory_space<vmem>>
      %dma_start3A_315 = tpu.memref_squeeze %dma_start3A_314 : memref<1x20x64xf32, #tpu.memory_space<vmem>> -> memref<20x64xf32, #tpu.memory_space<vmem>>
      %dma_start3A_316 = arith.constant 0 : i32
      %dma_start3A_317 = arith.constant 0 : i32
      %dma_start3A_318 = tpu.memref_slice %arg2[%add3A_101, %dma_start3A_316, %dma_start3A_317] : memref<45056x20x64xf32, #tpu.memory_space<hbm>> -> memref<1x20x64xf32, #tpu.memory_space<hbm>>
      %dma_start3A_319 = tpu.memref_squeeze %dma_start3A_318 : memref<1x20x64xf32, #tpu.memory_space<hbm>> -> memref<20x64xf32, #tpu.memory_space<hbm>>
      %dma_start3A_320 = arith.constant 0 : i32
      %dma_start3A_321 = arith.constant 0 : i32
      %dma_start3A_322 = tpu.memref_slice %arg6[%dma_start3A_311, %dma_start3A_320, %dma_start3A_321] : memref<16x20x64xf32, #tpu.memory_space<vmem>> -> memref<1x20x64xf32, #tpu.memory_space<vmem>>
      %dma_start3A_323 = tpu.memref_squeeze %dma_start3A_322 : memref<1x20x64xf32, #tpu.memory_space<vmem>> -> memref<20x64xf32, #tpu.memory_space<vmem>>
      %dma_start3A_324 = arith.constant 0 : i32
      %dma_start3A_325 = arith.constant 0 : i32
      %dma_start3A_326 = tpu.memref_slice %arg2[%add3A_101, %dma_start3A_324, %dma_start3A_325] : memref<45056x20x64xf32, #tpu.memory_space<hbm>> -> memref<1x20x64xf32, #tpu.memory_space<hbm>>
      %dma_start3A_327 = tpu.memref_squeeze %dma_start3A_326 : memref<1x20x64xf32, #tpu.memory_space<hbm>> -> memref<20x64xf32, #tpu.memory_space<hbm>>
      tpu.enqueue_dma source(%dma_start3A_327 : memref<20x64xf32, #tpu.memory_space<hbm>>) target(%dma_start3A_323 : memref<20x64xf32, #tpu.memory_space<vmem>>) target_semaphore(%arg7 : memref<!tpu.dma_semaphore, #tpu.memory_space<semaphore_mem>>)
      %dma_start3A_328 = arith.constant 11 : i32
      %dma_start3A_329 = arith.constant 0 : i32
      %dma_start3A_330 = arith.constant 0 : i32
      %dma_start3A_331 = tpu.memref_slice %arg6[%dma_start3A_328, %dma_start3A_329, %dma_start3A_330] : memref<16x20x64xf32, #tpu.memory_space<vmem>> -> memref<1x20x64xf32, #tpu.memory_space<vmem>>
      %dma_start3A_332 = tpu.memref_squeeze %dma_start3A_331 : memref<1x20x64xf32, #tpu.memory_space<vmem>> -> memref<20x64xf32, #tpu.memory_space<vmem>>
      %dma_start3A_333 = arith.constant 0 : i32
      %dma_start3A_334 = arith.constant 0 : i32
      %dma_start3A_335 = tpu.memref_slice %arg2[%add3A_109, %dma_start3A_333, %dma_start3A_334] : memref<45056x20x64xf32, #tpu.memory_space<hbm>> -> memref<1x20x64xf32, #tpu.memory_space<hbm>>
      %dma_start3A_336 = tpu.memref_squeeze %dma_start3A_335 : memref<1x20x64xf32, #tpu.memory_space<hbm>> -> memref<20x64xf32, #tpu.memory_space<hbm>>
      %dma_start3A_337 = arith.constant 0 : i32
      %dma_start3A_338 = arith.constant 0 : i32
      %dma_start3A_339 = tpu.memref_slice %arg6[%dma_start3A_328, %dma_start3A_337, %dma_start3A_338] : memref<16x20x64xf32, #tpu.memory_space<vmem>> -> memref<1x20x64xf32, #tpu.memory_space<vmem>>
      %dma_start3A_340 = tpu.memref_squeeze %dma_start3A_339 : memref<1x20x64xf32, #tpu.memory_space<vmem>> -> memref<20x64xf32, #tpu.memory_space<vmem>>
      %dma_start3A_341 = arith.constant 0 : i32
      %dma_start3A_342 = arith.constant 0 : i32
      %dma_start3A_343 = tpu.memref_slice %arg2[%add3A_109, %dma_start3A_341, %dma_start3A_342] : memref<45056x20x64xf32, #tpu.memory_space<hbm>> -> memref<1x20x64xf32, #tpu.memory_space<hbm>>
      %dma_start3A_344 = tpu.memref_squeeze %dma_start3A_343 : memref<1x20x64xf32, #tpu.memory_space<hbm>> -> memref<20x64xf32, #tpu.memory_space<hbm>>
      tpu.enqueue_dma source(%dma_start3A_344 : memref<20x64xf32, #tpu.memory_space<hbm>>) target(%dma_start3A_340 : memref<20x64xf32, #tpu.memory_space<vmem>>) target_semaphore(%arg7 : memref<!tpu.dma_semaphore, #tpu.memory_space<semaphore_mem>>)
      %dma_start3A_345 = arith.constant 12 : i32
      %dma_start3A_346 = arith.constant 0 : i32
      %dma_start3A_347 = arith.constant 0 : i32
      %dma_start3A_348 = tpu.memref_slice %arg6[%dma_start3A_345, %dma_start3A_346, %dma_start3A_347] : memref<16x20x64xf32, #tpu.memory_space<vmem>> -> memref<1x20x64xf32, #tpu.memory_space<vmem>>
      %dma_start3A_349 = tpu.memref_squeeze %dma_start3A_348 : memref<1x20x64xf32, #tpu.memory_space<vmem>> -> memref<20x64xf32, #tpu.memory_space<vmem>>
      %dma_start3A_350 = arith.constant 0 : i32
      %dma_start3A_351 = arith.constant 0 : i32
      %dma_start3A_352 = tpu.memref_slice %arg2[%add3A_117, %dma_start3A_350, %dma_start3A_351] : memref<45056x20x64xf32, #tpu.memory_space<hbm>> -> memref<1x20x64xf32, #tpu.memory_space<hbm>>
      %dma_start3A_353 = tpu.memref_squeeze %dma_start3A_352 : memref<1x20x64xf32, #tpu.memory_space<hbm>> -> memref<20x64xf32, #tpu.memory_space<hbm>>
      %dma_start3A_354 = arith.constant 0 : i32
      %dma_start3A_355 = arith.constant 0 : i32
      %dma_start3A_356 = tpu.memref_slice %arg6[%dma_start3A_345, %dma_start3A_354, %dma_start3A_355] : memref<16x20x64xf32, #tpu.memory_space<vmem>> -> memref<1x20x64xf32, #tpu.memory_space<vmem>>
      %dma_start3A_357 = tpu.memref_squeeze %dma_start3A_356 : memref<1x20x64xf32, #tpu.memory_space<vmem>> -> memref<20x64xf32, #tpu.memory_space<vmem>>
      %dma_start3A_358 = arith.constant 0 : i32
      %dma_start3A_359 = arith.constant 0 : i32
      %dma_start3A_360 = tpu.memref_slice %arg2[%add3A_117, %dma_start3A_358, %dma_start3A_359] : memref<45056x20x64xf32, #tpu.memory_space<hbm>> -> memref<1x20x64xf32, #tpu.memory_space<hbm>>
      %dma_start3A_361 = tpu.memref_squeeze %dma_start3A_360 : memref<1x20x64xf32, #tpu.memory_space<hbm>> -> memref<20x64xf32, #tpu.memory_space<hbm>>
      tpu.enqueue_dma source(%dma_start3A_361 : memref<20x64xf32, #tpu.memory_space<hbm>>) target(%dma_start3A_357 : memref<20x64xf32, #tpu.memory_space<vmem>>) target_semaphore(%arg7 : memref<!tpu.dma_semaphore, #tpu.memory_space<semaphore_mem>>)
      %dma_start3A_362 = arith.constant 13 : i32
      %dma_start3A_363 = arith.constant 0 : i32
      %dma_start3A_364 = arith.constant 0 : i32
      %dma_start3A_365 = tpu.memref_slice %arg6[%dma_start3A_362, %dma_start3A_363, %dma_start3A_364] : memref<16x20x64xf32, #tpu.memory_space<vmem>> -> memref<1x20x64xf32, #tpu.memory_space<vmem>>
      %dma_start3A_366 = tpu.memref_squeeze %dma_start3A_365 : memref<1x20x64xf32, #tpu.memory_space<vmem>> -> memref<20x64xf32, #tpu.memory_space<vmem>>
      %dma_start3A_367 = arith.constant 0 : i32
      %dma_start3A_368 = arith.constant 0 : i32
      %dma_start3A_369 = tpu.memref_slice %arg2[%add3A_125, %dma_start3A_367, %dma_start3A_368] : memref<45056x20x64xf32, #tpu.memory_space<hbm>> -> memref<1x20x64xf32, #tpu.memory_space<hbm>>
      %dma_start3A_370 = tpu.memref_squeeze %dma_start3A_369 : memref<1x20x64xf32, #tpu.memory_space<hbm>> -> memref<20x64xf32, #tpu.memory_space<hbm>>
      %dma_start3A_371 = arith.constant 0 : i32
      %dma_start3A_372 = arith.constant 0 : i32
      %dma_start3A_373 = tpu.memref_slice %arg6[%dma_start3A_362, %dma_start3A_371, %dma_start3A_372] : memref<16x20x64xf32, #tpu.memory_space<vmem>> -> memref<1x20x64xf32, #tpu.memory_space<vmem>>
      %dma_start3A_374 = tpu.memref_squeeze %dma_start3A_373 : memref<1x20x64xf32, #tpu.memory_space<vmem>> -> memref<20x64xf32, #tpu.memory_space<vmem>>
      %dma_start3A_375 = arith.constant 0 : i32
      %dma_start3A_376 = arith.constant 0 : i32
      %dma_start3A_377 = tpu.memref_slice %arg2[%add3A_125, %dma_start3A_375, %dma_start3A_376] : memref<45056x20x64xf32, #tpu.memory_space<hbm>> -> memref<1x20x64xf32, #tpu.memory_space<hbm>>
      %dma_start3A_378 = tpu.memref_squeeze %dma_start3A_377 : memref<1x20x64xf32, #tpu.memory_space<hbm>> -> memref<20x64xf32, #tpu.memory_space<hbm>>
      tpu.enqueue_dma source(%dma_start3A_378 : memref<20x64xf32, #tpu.memory_space<hbm>>) target(%dma_start3A_374 : memref<20x64xf32, #tpu.memory_space<vmem>>) target_semaphore(%arg7 : memref<!tpu.dma_semaphore, #tpu.memory_space<semaphore_mem>>)
      %dma_start3A_379 = arith.constant 14 : i32
      %dma_start3A_380 = arith.constant 0 : i32
      %dma_start3A_381 = arith.constant 0 : i32
      %dma_start3A_382 = tpu.memref_slice %arg6[%dma_start3A_379, %dma_start3A_380, %dma_start3A_381] : memref<16x20x64xf32, #tpu.memory_space<vmem>> -> memref<1x20x64xf32, #tpu.memory_space<vmem>>
      %dma_start3A_383 = tpu.memref_squeeze %dma_start3A_382 : memref<1x20x64xf32, #tpu.memory_space<vmem>> -> memref<20x64xf32, #tpu.memory_space<vmem>>
      %dma_start3A_384 = arith.constant 0 : i32
      %dma_start3A_385 = arith.constant 0 : i32
      %dma_start3A_386 = tpu.memref_slice %arg2[%add3A_133, %dma_start3A_384, %dma_start3A_385] : memref<45056x20x64xf32, #tpu.memory_space<hbm>> -> memref<1x20x64xf32, #tpu.memory_space<hbm>>
      %dma_start3A_387 = tpu.memref_squeeze %dma_start3A_386 : memref<1x20x64xf32, #tpu.memory_space<hbm>> -> memref<20x64xf32, #tpu.memory_space<hbm>>
      %dma_start3A_388 = arith.constant 0 : i32
      %dma_start3A_389 = arith.constant 0 : i32
      %dma_start3A_390 = tpu.memref_slice %arg6[%dma_start3A_379, %dma_start3A_388, %dma_start3A_389] : memref<16x20x64xf32, #tpu.memory_space<vmem>> -> memref<1x20x64xf32, #tpu.memory_space<vmem>>
      %dma_start3A_391 = tpu.memref_squeeze %dma_start3A_390 : memref<1x20x64xf32, #tpu.memory_space<vmem>> -> memref<20x64xf32, #tpu.memory_space<vmem>>
      %dma_start3A_392 = arith.constant 0 : i32
      %dma_start3A_393 = arith.constant 0 : i32
      %dma_start3A_394 = tpu.memref_slice %arg2[%add3A_133, %dma_start3A_392, %dma_start3A_393] : memref<45056x20x64xf32, #tpu.memory_space<hbm>> -> memref<1x20x64xf32, #tpu.memory_space<hbm>>
      %dma_start3A_395 = tpu.memref_squeeze %dma_start3A_394 : memref<1x20x64xf32, #tpu.memory_space<hbm>> -> memref<20x64xf32, #tpu.memory_space<hbm>>
      tpu.enqueue_dma source(%dma_start3A_395 : memref<20x64xf32, #tpu.memory_space<hbm>>) target(%dma_start3A_391 : memref<20x64xf32, #tpu.memory_space<vmem>>) target_semaphore(%arg7 : memref<!tpu.dma_semaphore, #tpu.memory_space<semaphore_mem>>)
      %dma_start3A_396 = arith.constant 15 : i32
      %dma_start3A_397 = arith.constant 0 : i32
      %dma_start3A_398 = arith.constant 0 : i32
      %dma_start3A_399 = tpu.memref_slice %arg6[%dma_start3A_396, %dma_start3A_397, %dma_start3A_398] : memref<16x20x64xf32, #tpu.memory_space<vmem>> -> memref<1x20x64xf32, #tpu.memory_space<vmem>>
      %dma_start3A_400 = tpu.memref_squeeze %dma_start3A_399 : memref<1x20x64xf32, #tpu.memory_space<vmem>> -> memref<20x64xf32, #tpu.memory_space<vmem>>
      %dma_start3A_401 = arith.constant 0 : i32
      %dma_start3A_402 = arith.constant 0 : i32
      %dma_start3A_403 = tpu.memref_slice %arg2[%add3A_141, %dma_start3A_401, %dma_start3A_402] : memref<45056x20x64xf32, #tpu.memory_space<hbm>> -> memref<1x20x64xf32, #tpu.memory_space<hbm>>
      %dma_start3A_404 = tpu.memref_squeeze %dma_start3A_403 : memref<1x20x64xf32, #tpu.memory_space<hbm>> -> memref<20x64xf32, #tpu.memory_space<hbm>>
      %dma_start3A_405 = arith.constant 0 : i32
      %dma_start3A_406 = arith.constant 0 : i32
      %dma_start3A_407 = tpu.memref_slice %arg6[%dma_start3A_396, %dma_start3A_405, %dma_start3A_406] : memref<16x20x64xf32, #tpu.memory_space<vmem>> -> memref<1x20x64xf32, #tpu.memory_space<vmem>>
      %dma_start3A_408 = tpu.memref_squeeze %dma_start3A_407 : memref<1x20x64xf32, #tpu.memory_space<vmem>> -> memref<20x64xf32, #tpu.memory_space<vmem>>
      %dma_start3A_409 = arith.constant 0 : i32
      %dma_start3A_410 = arith.constant 0 : i32
      %dma_start3A_411 = tpu.memref_slice %arg2[%add3A_141, %dma_start3A_409, %dma_start3A_410] : memref<45056x20x64xf32, #tpu.memory_space<hbm>> -> memref<1x20x64xf32, #tpu.memory_space<hbm>>
      %dma_start3A_412 = tpu.memref_squeeze %dma_start3A_411 : memref<1x20x64xf32, #tpu.memory_space<hbm>> -> memref<20x64xf32, #tpu.memory_space<hbm>>
      tpu.enqueue_dma source(%dma_start3A_412 : memref<20x64xf32, #tpu.memory_space<hbm>>) target(%dma_start3A_408 : memref<20x64xf32, #tpu.memory_space<vmem>>) target_semaphore(%arg7 : memref<!tpu.dma_semaphore, #tpu.memory_space<semaphore_mem>>)
      %dma_wait3A = arith.constant 0 : i32
      %dma_wait3A_413 = arith.constant 0 : i32
      %dma_wait3A_414 = arith.constant 0 : i32
      %dma_wait3A_415 = tpu.memref_slice %arg6[%dma_wait3A, %dma_wait3A_413, %dma_wait3A_414] : memref<16x20x64xf32, #tpu.memory_space<vmem>> -> memref<1x20x64xf32, #tpu.memory_space<vmem>>
      %dma_wait3A_416 = tpu.memref_squeeze %dma_wait3A_415 : memref<1x20x64xf32, #tpu.memory_space<vmem>> -> memref<20x64xf32, #tpu.memory_space<vmem>>
      %dma_wait3A_417 = arith.constant 0 : i32
      %dma_wait3A_418 = arith.constant 0 : i32
      %dma_wait3A_419 = tpu.memref_slice %arg2[%add3A_21, %dma_wait3A_417, %dma_wait3A_418] : memref<45056x20x64xf32, #tpu.memory_space<hbm>> -> memref<1x20x64xf32, #tpu.memory_space<hbm>>
      %dma_wait3A_420 = tpu.memref_squeeze %dma_wait3A_419 : memref<1x20x64xf32, #tpu.memory_space<hbm>> -> memref<20x64xf32, #tpu.memory_space<hbm>>
      %dma_wait3A_421 = arith.constant 0 : i32
      %dma_wait3A_422 = arith.constant 0 : i32
      %dma_wait3A_423 = tpu.memref_slice %arg6[%dma_wait3A, %dma_wait3A_421, %dma_wait3A_422] : memref<16x20x64xf32, #tpu.memory_space<vmem>> -> memref<1x20x64xf32, #tpu.memory_space<vmem>>
      %dma_wait3A_424 = tpu.memref_squeeze %dma_wait3A_423 : memref<1x20x64xf32, #tpu.memory_space<vmem>> -> memref<20x64xf32, #tpu.memory_space<vmem>>
      %dma_wait3A_425 = arith.constant 0 : i32
      %dma_wait3A_426 = arith.constant 0 : i32
      %dma_wait3A_427 = tpu.memref_slice %arg2[%add3A_21, %dma_wait3A_425, %dma_wait3A_426] : memref<45056x20x64xf32, #tpu.memory_space<hbm>> -> memref<1x20x64xf32, #tpu.memory_space<hbm>>
      %dma_wait3A_428 = tpu.memref_squeeze %dma_wait3A_427 : memref<1x20x64xf32, #tpu.memory_space<hbm>> -> memref<20x64xf32, #tpu.memory_space<hbm>>
      tpu.wait_dma2 semaphore(%arg7 : memref<!tpu.dma_semaphore, #tpu.memory_space<semaphore_mem>>) src(%dma_wait3A_428 : memref<20x64xf32, #tpu.memory_space<hbm>>) dst(%dma_wait3A_424 : memref<20x64xf32, #tpu.memory_space<vmem>>)
      %dma_wait3A_429 = arith.constant 1 : i32
      %dma_wait3A_430 = arith.constant 0 : i32
      %dma_wait3A_431 = arith.constant 0 : i32
      %dma_wait3A_432 = tpu.memref_slice %arg6[%dma_wait3A_429, %dma_wait3A_430, %dma_wait3A_431] : memref<16x20x64xf32, #tpu.memory_space<vmem>> -> memref<1x20x64xf32, #tpu.memory_space<vmem>>
      %dma_wait3A_433 = tpu.memref_squeeze %dma_wait3A_432 : memref<1x20x64xf32, #tpu.memory_space<vmem>> -> memref<20x64xf32, #tpu.memory_space<vmem>>
      %dma_wait3A_434 = arith.constant 0 : i32
      %dma_wait3A_435 = arith.constant 0 : i32
      %dma_wait3A_436 = tpu.memref_slice %arg2[%add3A_29, %dma_wait3A_434, %dma_wait3A_435] : memref<45056x20x64xf32, #tpu.memory_space<hbm>> -> memref<1x20x64xf32, #tpu.memory_space<hbm>>
      %dma_wait3A_437 = tpu.memref_squeeze %dma_wait3A_436 : memref<1x20x64xf32, #tpu.memory_space<hbm>> -> memref<20x64xf32, #tpu.memory_space<hbm>>
      %dma_wait3A_438 = arith.constant 0 : i32
      %dma_wait3A_439 = arith.constant 0 : i32
      %dma_wait3A_440 = tpu.memref_slice %arg6[%dma_wait3A_429, %dma_wait3A_438, %dma_wait3A_439] : memref<16x20x64xf32, #tpu.memory_space<vmem>> -> memref<1x20x64xf32, #tpu.memory_space<vmem>>
      %dma_wait3A_441 = tpu.memref_squeeze %dma_wait3A_440 : memref<1x20x64xf32, #tpu.memory_space<vmem>> -> memref<20x64xf32, #tpu.memory_space<vmem>>
      %dma_wait3A_442 = arith.constant 0 : i32
      %dma_wait3A_443 = arith.constant 0 : i32
      %dma_wait3A_444 = tpu.memref_slice %arg2[%add3A_29, %dma_wait3A_442, %dma_wait3A_443] : memref<45056x20x64xf32, #tpu.memory_space<hbm>> -> memref<1x20x64xf32, #tpu.memory_space<hbm>>
      %dma_wait3A_445 = tpu.memref_squeeze %dma_wait3A_444 : memref<1x20x64xf32, #tpu.memory_space<hbm>> -> memref<20x64xf32, #tpu.memory_space<hbm>>
      tpu.wait_dma2 semaphore(%arg7 : memref<!tpu.dma_semaphore, #tpu.memory_space<semaphore_mem>>) src(%dma_wait3A_445 : memref<20x64xf32, #tpu.memory_space<hbm>>) dst(%dma_wait3A_441 : memref<20x64xf32, #tpu.memory_space<vmem>>)
      %dma_wait3A_446 = arith.constant 2 : i32
      %dma_wait3A_447 = arith.constant 0 : i32
      %dma_wait3A_448 = arith.constant 0 : i32
      %dma_wait3A_449 = tpu.memref_slice %arg6[%dma_wait3A_446, %dma_wait3A_447, %dma_wait3A_448] : memref<16x20x64xf32, #tpu.memory_space<vmem>> -> memref<1x20x64xf32, #tpu.memory_space<vmem>>
      %dma_wait3A_450 = tpu.memref_squeeze %dma_wait3A_449 : memref<1x20x64xf32, #tpu.memory_space<vmem>> -> memref<20x64xf32, #tpu.memory_space<vmem>>
      %dma_wait3A_451 = arith.constant 0 : i32
      %dma_wait3A_452 = arith.constant 0 : i32
      %dma_wait3A_453 = tpu.memref_slice %arg2[%add3A_37, %dma_wait3A_451, %dma_wait3A_452] : memref<45056x20x64xf32, #tpu.memory_space<hbm>> -> memref<1x20x64xf32, #tpu.memory_space<hbm>>
      %dma_wait3A_454 = tpu.memref_squeeze %dma_wait3A_453 : memref<1x20x64xf32, #tpu.memory_space<hbm>> -> memref<20x64xf32, #tpu.memory_space<hbm>>
      %dma_wait3A_455 = arith.constant 0 : i32
      %dma_wait3A_456 = arith.constant 0 : i32
      %dma_wait3A_457 = tpu.memref_slice %arg6[%dma_wait3A_446, %dma_wait3A_455, %dma_wait3A_456] : memref<16x20x64xf32, #tpu.memory_space<vmem>> -> memref<1x20x64xf32, #tpu.memory_space<vmem>>
      %dma_wait3A_458 = tpu.memref_squeeze %dma_wait3A_457 : memref<1x20x64xf32, #tpu.memory_space<vmem>> -> memref<20x64xf32, #tpu.memory_space<vmem>>
      %dma_wait3A_459 = arith.constant 0 : i32
      %dma_wait3A_460 = arith.constant 0 : i32
      %dma_wait3A_461 = tpu.memref_slice %arg2[%add3A_37, %dma_wait3A_459, %dma_wait3A_460] : memref<45056x20x64xf32, #tpu.memory_space<hbm>> -> memref<1x20x64xf32, #tpu.memory_space<hbm>>
      %dma_wait3A_462 = tpu.memref_squeeze %dma_wait3A_461 : memref<1x20x64xf32, #tpu.memory_space<hbm>> -> memref<20x64xf32, #tpu.memory_space<hbm>>
      tpu.wait_dma2 semaphore(%arg7 : memref<!tpu.dma_semaphore, #tpu.memory_space<semaphore_mem>>) src(%dma_wait3A_462 : memref<20x64xf32, #tpu.memory_space<hbm>>) dst(%dma_wait3A_458 : memref<20x64xf32, #tpu.memory_space<vmem>>)
      %dma_wait3A_463 = arith.constant 3 : i32
      %dma_wait3A_464 = arith.constant 0 : i32
      %dma_wait3A_465 = arith.constant 0 : i32
      %dma_wait3A_466 = tpu.memref_slice %arg6[%dma_wait3A_463, %dma_wait3A_464, %dma_wait3A_465] : memref<16x20x64xf32, #tpu.memory_space<vmem>> -> memref<1x20x64xf32, #tpu.memory_space<vmem>>
      %dma_wait3A_467 = tpu.memref_squeeze %dma_wait3A_466 : memref<1x20x64xf32, #tpu.memory_space<vmem>> -> memref<20x64xf32, #tpu.memory_space<vmem>>
      %dma_wait3A_468 = arith.constant 0 : i32
      %dma_wait3A_469 = arith.constant 0 : i32
      %dma_wait3A_470 = tpu.memref_slice %arg2[%add3A_45, %dma_wait3A_468, %dma_wait3A_469] : memref<45056x20x64xf32, #tpu.memory_space<hbm>> -> memref<1x20x64xf32, #tpu.memory_space<hbm>>
      %dma_wait3A_471 = tpu.memref_squeeze %dma_wait3A_470 : memref<1x20x64xf32, #tpu.memory_space<hbm>> -> memref<20x64xf32, #tpu.memory_space<hbm>>
      %dma_wait3A_472 = arith.constant 0 : i32
      %dma_wait3A_473 = arith.constant 0 : i32
      %dma_wait3A_474 = tpu.memref_slice %arg6[%dma_wait3A_463, %dma_wait3A_472, %dma_wait3A_473] : memref<16x20x64xf32, #tpu.memory_space<vmem>> -> memref<1x20x64xf32, #tpu.memory_space<vmem>>
      %dma_wait3A_475 = tpu.memref_squeeze %dma_wait3A_474 : memref<1x20x64xf32, #tpu.memory_space<vmem>> -> memref<20x64xf32, #tpu.memory_space<vmem>>
      %dma_wait3A_476 = arith.constant 0 : i32
      %dma_wait3A_477 = arith.constant 0 : i32
      %dma_wait3A_478 = tpu.memref_slice %arg2[%add3A_45, %dma_wait3A_476, %dma_wait3A_477] : memref<45056x20x64xf32, #tpu.memory_space<hbm>> -> memref<1x20x64xf32, #tpu.memory_space<hbm>>
      %dma_wait3A_479 = tpu.memref_squeeze %dma_wait3A_478 : memref<1x20x64xf32, #tpu.memory_space<hbm>> -> memref<20x64xf32, #tpu.memory_space<hbm>>
      tpu.wait_dma2 semaphore(%arg7 : memref<!tpu.dma_semaphore, #tpu.memory_space<semaphore_mem>>) src(%dma_wait3A_479 : memref<20x64xf32, #tpu.memory_space<hbm>>) dst(%dma_wait3A_475 : memref<20x64xf32, #tpu.memory_space<vmem>>)
      %dma_wait3A_480 = arith.constant 4 : i32
      %dma_wait3A_481 = arith.constant 0 : i32
      %dma_wait3A_482 = arith.constant 0 : i32
      %dma_wait3A_483 = tpu.memref_slice %arg6[%dma_wait3A_480, %dma_wait3A_481, %dma_wait3A_482] : memref<16x20x64xf32, #tpu.memory_space<vmem>> -> memref<1x20x64xf32, #tpu.memory_space<vmem>>
      %dma_wait3A_484 = tpu.memref_squeeze %dma_wait3A_483 : memref<1x20x64xf32, #tpu.memory_space<vmem>> -> memref<20x64xf32, #tpu.memory_space<vmem>>
      %dma_wait3A_485 = arith.constant 0 : i32
      %dma_wait3A_486 = arith.constant 0 : i32
      %dma_wait3A_487 = tpu.memref_slice %arg2[%add3A_53, %dma_wait3A_485, %dma_wait3A_486] : memref<45056x20x64xf32, #tpu.memory_space<hbm>> -> memref<1x20x64xf32, #tpu.memory_space<hbm>>
      %dma_wait3A_488 = tpu.memref_squeeze %dma_wait3A_487 : memref<1x20x64xf32, #tpu.memory_space<hbm>> -> memref<20x64xf32, #tpu.memory_space<hbm>>
      %dma_wait3A_489 = arith.constant 0 : i32
      %dma_wait3A_490 = arith.constant 0 : i32
      %dma_wait3A_491 = tpu.memref_slice %arg6[%dma_wait3A_480, %dma_wait3A_489, %dma_wait3A_490] : memref<16x20x64xf32, #tpu.memory_space<vmem>> -> memref<1x20x64xf32, #tpu.memory_space<vmem>>
      %dma_wait3A_492 = tpu.memref_squeeze %dma_wait3A_491 : memref<1x20x64xf32, #tpu.memory_space<vmem>> -> memref<20x64xf32, #tpu.memory_space<vmem>>
      %dma_wait3A_493 = arith.constant 0 : i32
      %dma_wait3A_494 = arith.constant 0 : i32
      %dma_wait3A_495 = tpu.memref_slice %arg2[%add3A_53, %dma_wait3A_493, %dma_wait3A_494] : memref<45056x20x64xf32, #tpu.memory_space<hbm>> -> memref<1x20x64xf32, #tpu.memory_space<hbm>>
      %dma_wait3A_496 = tpu.memref_squeeze %dma_wait3A_495 : memref<1x20x64xf32, #tpu.memory_space<hbm>> -> memref<20x64xf32, #tpu.memory_space<hbm>>
      tpu.wait_dma2 semaphore(%arg7 : memref<!tpu.dma_semaphore, #tpu.memory_space<semaphore_mem>>) src(%dma_wait3A_496 : memref<20x64xf32, #tpu.memory_space<hbm>>) dst(%dma_wait3A_492 : memref<20x64xf32, #tpu.memory_space<vmem>>)
      %dma_wait3A_497 = arith.constant 5 : i32
      %dma_wait3A_498 = arith.constant 0 : i32
      %dma_wait3A_499 = arith.constant 0 : i32
      %dma_wait3A_500 = tpu.memref_slice %arg6[%dma_wait3A_497, %dma_wait3A_498, %dma_wait3A_499] : memref<16x20x64xf32, #tpu.memory_space<vmem>> -> memref<1x20x64xf32, #tpu.memory_space<vmem>>
      %dma_wait3A_501 = tpu.memref_squeeze %dma_wait3A_500 : memref<1x20x64xf32, #tpu.memory_space<vmem>> -> memref<20x64xf32, #tpu.memory_space<vmem>>
      %dma_wait3A_502 = arith.constant 0 : i32
      %dma_wait3A_503 = arith.constant 0 : i32
      %dma_wait3A_504 = tpu.memref_slice %arg2[%add3A_61, %dma_wait3A_502, %dma_wait3A_503] : memref<45056x20x64xf32, #tpu.memory_space<hbm>> -> memref<1x20x64xf32, #tpu.memory_space<hbm>>
      %dma_wait3A_505 = tpu.memref_squeeze %dma_wait3A_504 : memref<1x20x64xf32, #tpu.memory_space<hbm>> -> memref<20x64xf32, #tpu.memory_space<hbm>>
      %dma_wait3A_506 = arith.constant 0 : i32
      %dma_wait3A_507 = arith.constant 0 : i32
      %dma_wait3A_508 = tpu.memref_slice %arg6[%dma_wait3A_497, %dma_wait3A_506, %dma_wait3A_507] : memref<16x20x64xf32, #tpu.memory_space<vmem>> -> memref<1x20x64xf32, #tpu.memory_space<vmem>>
      %dma_wait3A_509 = tpu.memref_squeeze %dma_wait3A_508 : memref<1x20x64xf32, #tpu.memory_space<vmem>> -> memref<20x64xf32, #tpu.memory_space<vmem>>
      %dma_wait3A_510 = arith.constant 0 : i32
      %dma_wait3A_511 = arith.constant 0 : i32
      %dma_wait3A_512 = tpu.memref_slice %arg2[%add3A_61, %dma_wait3A_510, %dma_wait3A_511] : memref<45056x20x64xf32, #tpu.memory_space<hbm>> -> memref<1x20x64xf32, #tpu.memory_space<hbm>>
      %dma_wait3A_513 = tpu.memref_squeeze %dma_wait3A_512 : memref<1x20x64xf32, #tpu.memory_space<hbm>> -> memref<20x64xf32, #tpu.memory_space<hbm>>
      tpu.wait_dma2 semaphore(%arg7 : memref<!tpu.dma_semaphore, #tpu.memory_space<semaphore_mem>>) src(%dma_wait3A_513 : memref<20x64xf32, #tpu.memory_space<hbm>>) dst(%dma_wait3A_509 : memref<20x64xf32, #tpu.memory_space<vmem>>)
      %dma_wait3A_514 = arith.constant 6 : i32
      %dma_wait3A_515 = arith.constant 0 : i32
      %dma_wait3A_516 = arith.constant 0 : i32
      %dma_wait3A_517 = tpu.memref_slice %arg6[%dma_wait3A_514, %dma_wait3A_515, %dma_wait3A_516] : memref<16x20x64xf32, #tpu.memory_space<vmem>> -> memref<1x20x64xf32, #tpu.memory_space<vmem>>
      %dma_wait3A_518 = tpu.memref_squeeze %dma_wait3A_517 : memref<1x20x64xf32, #tpu.memory_space<vmem>> -> memref<20x64xf32, #tpu.memory_space<vmem>>
      %dma_wait3A_519 = arith.constant 0 : i32
      %dma_wait3A_520 = arith.constant 0 : i32
      %dma_wait3A_521 = tpu.memref_slice %arg2[%add3A_69, %dma_wait3A_519, %dma_wait3A_520] : memref<45056x20x64xf32, #tpu.memory_space<hbm>> -> memref<1x20x64xf32, #tpu.memory_space<hbm>>
      %dma_wait3A_522 = tpu.memref_squeeze %dma_wait3A_521 : memref<1x20x64xf32, #tpu.memory_space<hbm>> -> memref<20x64xf32, #tpu.memory_space<hbm>>
      %dma_wait3A_523 = arith.constant 0 : i32
      %dma_wait3A_524 = arith.constant 0 : i32
      %dma_wait3A_525 = tpu.memref_slice %arg6[%dma_wait3A_514, %dma_wait3A_523, %dma_wait3A_524] : memref<16x20x64xf32, #tpu.memory_space<vmem>> -> memref<1x20x64xf32, #tpu.memory_space<vmem>>
      %dma_wait3A_526 = tpu.memref_squeeze %dma_wait3A_525 : memref<1x20x64xf32, #tpu.memory_space<vmem>> -> memref<20x64xf32, #tpu.memory_space<vmem>>
      %dma_wait3A_527 = arith.constant 0 : i32
      %dma_wait3A_528 = arith.constant 0 : i32
      %dma_wait3A_529 = tpu.memref_slice %arg2[%add3A_69, %dma_wait3A_527, %dma_wait3A_528] : memref<45056x20x64xf32, #tpu.memory_space<hbm>> -> memref<1x20x64xf32, #tpu.memory_space<hbm>>
      %dma_wait3A_530 = tpu.memref_squeeze %dma_wait3A_529 : memref<1x20x64xf32, #tpu.memory_space<hbm>> -> memref<20x64xf32, #tpu.memory_space<hbm>>
      tpu.wait_dma2 semaphore(%arg7 : memref<!tpu.dma_semaphore, #tpu.memory_space<semaphore_mem>>) src(%dma_wait3A_530 : memref<20x64xf32, #tpu.memory_space<hbm>>) dst(%dma_wait3A_526 : memref<20x64xf32, #tpu.memory_space<vmem>>)
      %dma_wait3A_531 = arith.constant 7 : i32
      %dma_wait3A_532 = arith.constant 0 : i32
      %dma_wait3A_533 = arith.constant 0 : i32
      %dma_wait3A_534 = tpu.memref_slice %arg6[%dma_wait3A_531, %dma_wait3A_532, %dma_wait3A_533] : memref<16x20x64xf32, #tpu.memory_space<vmem>> -> memref<1x20x64xf32, #tpu.memory_space<vmem>>
      %dma_wait3A_535 = tpu.memref_squeeze %dma_wait3A_534 : memref<1x20x64xf32, #tpu.memory_space<vmem>> -> memref<20x64xf32, #tpu.memory_space<vmem>>
      %dma_wait3A_536 = arith.constant 0 : i32
      %dma_wait3A_537 = arith.constant 0 : i32
      %dma_wait3A_538 = tpu.memref_slice %arg2[%add3A_77, %dma_wait3A_536, %dma_wait3A_537] : memref<45056x20x64xf32, #tpu.memory_space<hbm>> -> memref<1x20x64xf32, #tpu.memory_space<hbm>>
      %dma_wait3A_539 = tpu.memref_squeeze %dma_wait3A_538 : memref<1x20x64xf32, #tpu.memory_space<hbm>> -> memref<20x64xf32, #tpu.memory_space<hbm>>
      %dma_wait3A_540 = arith.constant 0 : i32
      %dma_wait3A_541 = arith.constant 0 : i32
      %dma_wait3A_542 = tpu.memref_slice %arg6[%dma_wait3A_531, %dma_wait3A_540, %dma_wait3A_541] : memref<16x20x64xf32, #tpu.memory_space<vmem>> -> memref<1x20x64xf32, #tpu.memory_space<vmem>>
      %dma_wait3A_543 = tpu.memref_squeeze %dma_wait3A_542 : memref<1x20x64xf32, #tpu.memory_space<vmem>> -> memref<20x64xf32, #tpu.memory_space<vmem>>
      %dma_wait3A_544 = arith.constant 0 : i32
      %dma_wait3A_545 = arith.constant 0 : i32
      %dma_wait3A_546 = tpu.memref_slice %arg2[%add3A_77, %dma_wait3A_544, %dma_wait3A_545] : memref<45056x20x64xf32, #tpu.memory_space<hbm>> -> memref<1x20x64xf32, #tpu.memory_space<hbm>>
      %dma_wait3A_547 = tpu.memref_squeeze %dma_wait3A_546 : memref<1x20x64xf32, #tpu.memory_space<hbm>> -> memref<20x64xf32, #tpu.memory_space<hbm>>
      tpu.wait_dma2 semaphore(%arg7 : memref<!tpu.dma_semaphore, #tpu.memory_space<semaphore_mem>>) src(%dma_wait3A_547 : memref<20x64xf32, #tpu.memory_space<hbm>>) dst(%dma_wait3A_543 : memref<20x64xf32, #tpu.memory_space<vmem>>)
      %dma_wait3A_548 = arith.constant 8 : i32
      %dma_wait3A_549 = arith.constant 0 : i32
      %dma_wait3A_550 = arith.constant 0 : i32
      %dma_wait3A_551 = tpu.memref_slice %arg6[%dma_wait3A_548, %dma_wait3A_549, %dma_wait3A_550] : memref<16x20x64xf32, #tpu.memory_space<vmem>> -> memref<1x20x64xf32, #tpu.memory_space<vmem>>
      %dma_wait3A_552 = tpu.memref_squeeze %dma_wait3A_551 : memref<1x20x64xf32, #tpu.memory_space<vmem>> -> memref<20x64xf32, #tpu.memory_space<vmem>>
      %dma_wait3A_553 = arith.constant 0 : i32
      %dma_wait3A_554 = arith.constant 0 : i32
      %dma_wait3A_555 = tpu.memref_slice %arg2[%add3A_85, %dma_wait3A_553, %dma_wait3A_554] : memref<45056x20x64xf32, #tpu.memory_space<hbm>> -> memref<1x20x64xf32, #tpu.memory_space<hbm>>
      %dma_wait3A_556 = tpu.memref_squeeze %dma_wait3A_555 : memref<1x20x64xf32, #tpu.memory_space<hbm>> -> memref<20x64xf32, #tpu.memory_space<hbm>>
      %dma_wait3A_557 = arith.constant 0 : i32
      %dma_wait3A_558 = arith.constant 0 : i32
      %dma_wait3A_559 = tpu.memref_slice %arg6[%dma_wait3A_548, %dma_wait3A_557, %dma_wait3A_558] : memref<16x20x64xf32, #tpu.memory_space<vmem>> -> memref<1x20x64xf32, #tpu.memory_space<vmem>>
      %dma_wait3A_560 = tpu.memref_squeeze %dma_wait3A_559 : memref<1x20x64xf32, #tpu.memory_space<vmem>> -> memref<20x64xf32, #tpu.memory_space<vmem>>
      %dma_wait3A_561 = arith.constant 0 : i32
      %dma_wait3A_562 = arith.constant 0 : i32
      %dma_wait3A_563 = tpu.memref_slice %arg2[%add3A_85, %dma_wait3A_561, %dma_wait3A_562] : memref<45056x20x64xf32, #tpu.memory_space<hbm>> -> memref<1x20x64xf32, #tpu.memory_space<hbm>>
      %dma_wait3A_564 = tpu.memref_squeeze %dma_wait3A_563 : memref<1x20x64xf32, #tpu.memory_space<hbm>> -> memref<20x64xf32, #tpu.memory_space<hbm>>
      tpu.wait_dma2 semaphore(%arg7 : memref<!tpu.dma_semaphore, #tpu.memory_space<semaphore_mem>>) src(%dma_wait3A_564 : memref<20x64xf32, #tpu.memory_space<hbm>>) dst(%dma_wait3A_560 : memref<20x64xf32, #tpu.memory_space<vmem>>)
      %dma_wait3A_565 = arith.constant 9 : i32
      %dma_wait3A_566 = arith.constant 0 : i32
      %dma_wait3A_567 = arith.constant 0 : i32
      %dma_wait3A_568 = tpu.memref_slice %arg6[%dma_wait3A_565, %dma_wait3A_566, %dma_wait3A_567] : memref<16x20x64xf32, #tpu.memory_space<vmem>> -> memref<1x20x64xf32, #tpu.memory_space<vmem>>
      %dma_wait3A_569 = tpu.memref_squeeze %dma_wait3A_568 : memref<1x20x64xf32, #tpu.memory_space<vmem>> -> memref<20x64xf32, #tpu.memory_space<vmem>>
      %dma_wait3A_570 = arith.constant 0 : i32
      %dma_wait3A_571 = arith.constant 0 : i32
      %dma_wait3A_572 = tpu.memref_slice %arg2[%add3A_93, %dma_wait3A_570, %dma_wait3A_571] : memref<45056x20x64xf32, #tpu.memory_space<hbm>> -> memref<1x20x64xf32, #tpu.memory_space<hbm>>
      %dma_wait3A_573 = tpu.memref_squeeze %dma_wait3A_572 : memref<1x20x64xf32, #tpu.memory_space<hbm>> -> memref<20x64xf32, #tpu.memory_space<hbm>>
      %dma_wait3A_574 = arith.constant 0 : i32
      %dma_wait3A_575 = arith.constant 0 : i32
      %dma_wait3A_576 = tpu.memref_slice %arg6[%dma_wait3A_565, %dma_wait3A_574, %dma_wait3A_575] : memref<16x20x64xf32, #tpu.memory_space<vmem>> -> memref<1x20x64xf32, #tpu.memory_space<vmem>>
      %dma_wait3A_577 = tpu.memref_squeeze %dma_wait3A_576 : memref<1x20x64xf32, #tpu.memory_space<vmem>> -> memref<20x64xf32, #tpu.memory_space<vmem>>
      %dma_wait3A_578 = arith.constant 0 : i32
      %dma_wait3A_579 = arith.constant 0 : i32
      %dma_wait3A_580 = tpu.memref_slice %arg2[%add3A_93, %dma_wait3A_578, %dma_wait3A_579] : memref<45056x20x64xf32, #tpu.memory_space<hbm>> -> memref<1x20x64xf32, #tpu.memory_space<hbm>>
      %dma_wait3A_581 = tpu.memref_squeeze %dma_wait3A_580 : memref<1x20x64xf32, #tpu.memory_space<hbm>> -> memref<20x64xf32, #tpu.memory_space<hbm>>
      tpu.wait_dma2 semaphore(%arg7 : memref<!tpu.dma_semaphore, #tpu.memory_space<semaphore_mem>>) src(%dma_wait3A_581 : memref<20x64xf32, #tpu.memory_space<hbm>>) dst(%dma_wait3A_577 : memref<20x64xf32, #tpu.memory_space<vmem>>)
      %dma_wait3A_582 = arith.constant 10 : i32
      %dma_wait3A_583 = arith.constant 0 : i32
      %dma_wait3A_584 = arith.constant 0 : i32
      %dma_wait3A_585 = tpu.memref_slice %arg6[%dma_wait3A_582, %dma_wait3A_583, %dma_wait3A_584] : memref<16x20x64xf32, #tpu.memory_space<vmem>> -> memref<1x20x64xf32, #tpu.memory_space<vmem>>
      %dma_wait3A_586 = tpu.memref_squeeze %dma_wait3A_585 : memref<1x20x64xf32, #tpu.memory_space<vmem>> -> memref<20x64xf32, #tpu.memory_space<vmem>>
      %dma_wait3A_587 = arith.constant 0 : i32
      %dma_wait3A_588 = arith.constant 0 : i32
      %dma_wait3A_589 = tpu.memref_slice %arg2[%add3A_101, %dma_wait3A_587, %dma_wait3A_588] : memref<45056x20x64xf32, #tpu.memory_space<hbm>> -> memref<1x20x64xf32, #tpu.memory_space<hbm>>
      %dma_wait3A_590 = tpu.memref_squeeze %dma_wait3A_589 : memref<1x20x64xf32, #tpu.memory_space<hbm>> -> memref<20x64xf32, #tpu.memory_space<hbm>>
      %dma_wait3A_591 = arith.constant 0 : i32
      %dma_wait3A_592 = arith.constant 0 : i32
      %dma_wait3A_593 = tpu.memref_slice %arg6[%dma_wait3A_582, %dma_wait3A_591, %dma_wait3A_592] : memref<16x20x64xf32, #tpu.memory_space<vmem>> -> memref<1x20x64xf32, #tpu.memory_space<vmem>>
      %dma_wait3A_594 = tpu.memref_squeeze %dma_wait3A_593 : memref<1x20x64xf32, #tpu.memory_space<vmem>> -> memref<20x64xf32, #tpu.memory_space<vmem>>
      %dma_wait3A_595 = arith.constant 0 : i32
      %dma_wait3A_596 = arith.constant 0 : i32
      %dma_wait3A_597 = tpu.memref_slice %arg2[%add3A_101, %dma_wait3A_595, %dma_wait3A_596] : memref<45056x20x64xf32, #tpu.memory_space<hbm>> -> memref<1x20x64xf32, #tpu.memory_space<hbm>>
      %dma_wait3A_598 = tpu.memref_squeeze %dma_wait3A_597 : memref<1x20x64xf32, #tpu.memory_space<hbm>> -> memref<20x64xf32, #tpu.memory_space<hbm>>
      tpu.wait_dma2 semaphore(%arg7 : memref<!tpu.dma_semaphore, #tpu.memory_space<semaphore_mem>>) src(%dma_wait3A_598 : memref<20x64xf32, #tpu.memory_space<hbm>>) dst(%dma_wait3A_594 : memref<20x64xf32, #tpu.memory_space<vmem>>)
      %dma_wait3A_599 = arith.constant 11 : i32
      %dma_wait3A_600 = arith.constant 0 : i32
      %dma_wait3A_601 = arith.constant 0 : i32
      %dma_wait3A_602 = tpu.memref_slice %arg6[%dma_wait3A_599, %dma_wait3A_600, %dma_wait3A_601] : memref<16x20x64xf32, #tpu.memory_space<vmem>> -> memref<1x20x64xf32, #tpu.memory_space<vmem>>
      %dma_wait3A_603 = tpu.memref_squeeze %dma_wait3A_602 : memref<1x20x64xf32, #tpu.memory_space<vmem>> -> memref<20x64xf32, #tpu.memory_space<vmem>>
      %dma_wait3A_604 = arith.constant 0 : i32
      %dma_wait3A_605 = arith.constant 0 : i32
      %dma_wait3A_606 = tpu.memref_slice %arg2[%add3A_109, %dma_wait3A_604, %dma_wait3A_605] : memref<45056x20x64xf32, #tpu.memory_space<hbm>> -> memref<1x20x64xf32, #tpu.memory_space<hbm>>
      %dma_wait3A_607 = tpu.memref_squeeze %dma_wait3A_606 : memref<1x20x64xf32, #tpu.memory_space<hbm>> -> memref<20x64xf32, #tpu.memory_space<hbm>>
      %dma_wait3A_608 = arith.constant 0 : i32
      %dma_wait3A_609 = arith.constant 0 : i32
      %dma_wait3A_610 = tpu.memref_slice %arg6[%dma_wait3A_599, %dma_wait3A_608, %dma_wait3A_609] : memref<16x20x64xf32, #tpu.memory_space<vmem>> -> memref<1x20x64xf32, #tpu.memory_space<vmem>>
      %dma_wait3A_611 = tpu.memref_squeeze %dma_wait3A_610 : memref<1x20x64xf32, #tpu.memory_space<vmem>> -> memref<20x64xf32, #tpu.memory_space<vmem>>
      %dma_wait3A_612 = arith.constant 0 : i32
      %dma_wait3A_613 = arith.constant 0 : i32
      %dma_wait3A_614 = tpu.memref_slice %arg2[%add3A_109, %dma_wait3A_612, %dma_wait3A_613] : memref<45056x20x64xf32, #tpu.memory_space<hbm>> -> memref<1x20x64xf32, #tpu.memory_space<hbm>>
      %dma_wait3A_615 = tpu.memref_squeeze %dma_wait3A_614 : memref<1x20x64xf32, #tpu.memory_space<hbm>> -> memref<20x64xf32, #tpu.memory_space<hbm>>
      tpu.wait_dma2 semaphore(%arg7 : memref<!tpu.dma_semaphore, #tpu.memory_space<semaphore_mem>>) src(%dma_wait3A_615 : memref<20x64xf32, #tpu.memory_space<hbm>>) dst(%dma_wait3A_611 : memref<20x64xf32, #tpu.memory_space<vmem>>)
      %dma_wait3A_616 = arith.constant 12 : i32
      %dma_wait3A_617 = arith.constant 0 : i32
      %dma_wait3A_618 = arith.constant 0 : i32
      %dma_wait3A_619 = tpu.memref_slice %arg6[%dma_wait3A_616, %dma_wait3A_617, %dma_wait3A_618] : memref<16x20x64xf32, #tpu.memory_space<vmem>> -> memref<1x20x64xf32, #tpu.memory_space<vmem>>
      %dma_wait3A_620 = tpu.memref_squeeze %dma_wait3A_619 : memref<1x20x64xf32, #tpu.memory_space<vmem>> -> memref<20x64xf32, #tpu.memory_space<vmem>>
      %dma_wait3A_621 = arith.constant 0 : i32
      %dma_wait3A_622 = arith.constant 0 : i32
      %dma_wait3A_623 = tpu.memref_slice %arg2[%add3A_117, %dma_wait3A_621, %dma_wait3A_622] : memref<45056x20x64xf32, #tpu.memory_space<hbm>> -> memref<1x20x64xf32, #tpu.memory_space<hbm>>
      %dma_wait3A_624 = tpu.memref_squeeze %dma_wait3A_623 : memref<1x20x64xf32, #tpu.memory_space<hbm>> -> memref<20x64xf32, #tpu.memory_space<hbm>>
      %dma_wait3A_625 = arith.constant 0 : i32
      %dma_wait3A_626 = arith.constant 0 : i32
      %dma_wait3A_627 = tpu.memref_slice %arg6[%dma_wait3A_616, %dma_wait3A_625, %dma_wait3A_626] : memref<16x20x64xf32, #tpu.memory_space<vmem>> -> memref<1x20x64xf32, #tpu.memory_space<vmem>>
      %dma_wait3A_628 = tpu.memref_squeeze %dma_wait3A_627 : memref<1x20x64xf32, #tpu.memory_space<vmem>> -> memref<20x64xf32, #tpu.memory_space<vmem>>
      %dma_wait3A_629 = arith.constant 0 : i32
      %dma_wait3A_630 = arith.constant 0 : i32
      %dma_wait3A_631 = tpu.memref_slice %arg2[%add3A_117, %dma_wait3A_629, %dma_wait3A_630] : memref<45056x20x64xf32, #tpu.memory_space<hbm>> -> memref<1x20x64xf32, #tpu.memory_space<hbm>>
      %dma_wait3A_632 = tpu.memref_squeeze %dma_wait3A_631 : memref<1x20x64xf32, #tpu.memory_space<hbm>> -> memref<20x64xf32, #tpu.memory_space<hbm>>
      tpu.wait_dma2 semaphore(%arg7 : memref<!tpu.dma_semaphore, #tpu.memory_space<semaphore_mem>>) src(%dma_wait3A_632 : memref<20x64xf32, #tpu.memory_space<hbm>>) dst(%dma_wait3A_628 : memref<20x64xf32, #tpu.memory_space<vmem>>)
      %dma_wait3A_633 = arith.constant 13 : i32
      %dma_wait3A_634 = arith.constant 0 : i32
      %dma_wait3A_635 = arith.constant 0 : i32
      %dma_wait3A_636 = tpu.memref_slice %arg6[%dma_wait3A_633, %dma_wait3A_634, %dma_wait3A_635] : memref<16x20x64xf32, #tpu.memory_space<vmem>> -> memref<1x20x64xf32, #tpu.memory_space<vmem>>
      %dma_wait3A_637 = tpu.memref_squeeze %dma_wait3A_636 : memref<1x20x64xf32, #tpu.memory_space<vmem>> -> memref<20x64xf32, #tpu.memory_space<vmem>>
      %dma_wait3A_638 = arith.constant 0 : i32
      %dma_wait3A_639 = arith.constant 0 : i32
      %dma_wait3A_640 = tpu.memref_slice %arg2[%add3A_125, %dma_wait3A_638, %dma_wait3A_639] : memref<45056x20x64xf32, #tpu.memory_space<hbm>> -> memref<1x20x64xf32, #tpu.memory_space<hbm>>
      %dma_wait3A_641 = tpu.memref_squeeze %dma_wait3A_640 : memref<1x20x64xf32, #tpu.memory_space<hbm>> -> memref<20x64xf32, #tpu.memory_space<hbm>>
      %dma_wait3A_642 = arith.constant 0 : i32
      %dma_wait3A_643 = arith.constant 0 : i32
      %dma_wait3A_644 = tpu.memref_slice %arg6[%dma_wait3A_633, %dma_wait3A_642, %dma_wait3A_643] : memref<16x20x64xf32, #tpu.memory_space<vmem>> -> memref<1x20x64xf32, #tpu.memory_space<vmem>>
      %dma_wait3A_645 = tpu.memref_squeeze %dma_wait3A_644 : memref<1x20x64xf32, #tpu.memory_space<vmem>> -> memref<20x64xf32, #tpu.memory_space<vmem>>
      %dma_wait3A_646 = arith.constant 0 : i32
      %dma_wait3A_647 = arith.constant 0 : i32
      %dma_wait3A_648 = tpu.memref_slice %arg2[%add3A_125, %dma_wait3A_646, %dma_wait3A_647] : memref<45056x20x64xf32, #tpu.memory_space<hbm>> -> memref<1x20x64xf32, #tpu.memory_space<hbm>>
      %dma_wait3A_649 = tpu.memref_squeeze %dma_wait3A_648 : memref<1x20x64xf32, #tpu.memory_space<hbm>> -> memref<20x64xf32, #tpu.memory_space<hbm>>
      tpu.wait_dma2 semaphore(%arg7 : memref<!tpu.dma_semaphore, #tpu.memory_space<semaphore_mem>>) src(%dma_wait3A_649 : memref<20x64xf32, #tpu.memory_space<hbm>>) dst(%dma_wait3A_645 : memref<20x64xf32, #tpu.memory_space<vmem>>)
      %dma_wait3A_650 = arith.constant 14 : i32
      %dma_wait3A_651 = arith.constant 0 : i32
      %dma_wait3A_652 = arith.constant 0 : i32
      %dma_wait3A_653 = tpu.memref_slice %arg6[%dma_wait3A_650, %dma_wait3A_651, %dma_wait3A_652] : memref<16x20x64xf32, #tpu.memory_space<vmem>> -> memref<1x20x64xf32, #tpu.memory_space<vmem>>
      %dma_wait3A_654 = tpu.memref_squeeze %dma_wait3A_653 : memref<1x20x64xf32, #tpu.memory_space<vmem>> -> memref<20x64xf32, #tpu.memory_space<vmem>>
      %dma_wait3A_655 = arith.constant 0 : i32
      %dma_wait3A_656 = arith.constant 0 : i32
      %dma_wait3A_657 = tpu.memref_slice %arg2[%add3A_133, %dma_wait3A_655, %dma_wait3A_656] : memref<45056x20x64xf32, #tpu.memory_space<hbm>> -> memref<1x20x64xf32, #tpu.memory_space<hbm>>
      %dma_wait3A_658 = tpu.memref_squeeze %dma_wait3A_657 : memref<1x20x64xf32, #tpu.memory_space<hbm>> -> memref<20x64xf32, #tpu.memory_space<hbm>>
      %dma_wait3A_659 = arith.constant 0 : i32
      %dma_wait3A_660 = arith.constant 0 : i32
      %dma_wait3A_661 = tpu.memref_slice %arg6[%dma_wait3A_650, %dma_wait3A_659, %dma_wait3A_660] : memref<16x20x64xf32, #tpu.memory_space<vmem>> -> memref<1x20x64xf32, #tpu.memory_space<vmem>>
      %dma_wait3A_662 = tpu.memref_squeeze %dma_wait3A_661 : memref<1x20x64xf32, #tpu.memory_space<vmem>> -> memref<20x64xf32, #tpu.memory_space<vmem>>
      %dma_wait3A_663 = arith.constant 0 : i32
      %dma_wait3A_664 = arith.constant 0 : i32
      %dma_wait3A_665 = tpu.memref_slice %arg2[%add3A_133, %dma_wait3A_663, %dma_wait3A_664] : memref<45056x20x64xf32, #tpu.memory_space<hbm>> -> memref<1x20x64xf32, #tpu.memory_space<hbm>>
      %dma_wait3A_666 = tpu.memref_squeeze %dma_wait3A_665 : memref<1x20x64xf32, #tpu.memory_space<hbm>> -> memref<20x64xf32, #tpu.memory_space<hbm>>
      tpu.wait_dma2 semaphore(%arg7 : memref<!tpu.dma_semaphore, #tpu.memory_space<semaphore_mem>>) src(%dma_wait3A_666 : memref<20x64xf32, #tpu.memory_space<hbm>>) dst(%dma_wait3A_662 : memref<20x64xf32, #tpu.memory_space<vmem>>)
      %dma_wait3A_667 = arith.constant 15 : i32
      %dma_wait3A_668 = arith.constant 0 : i32
      %dma_wait3A_669 = arith.constant 0 : i32
      %dma_wait3A_670 = tpu.memref_slice %arg6[%dma_wait3A_667, %dma_wait3A_668, %dma_wait3A_669] : memref<16x20x64xf32, #tpu.memory_space<vmem>> -> memref<1x20x64xf32, #tpu.memory_space<vmem>>
      %dma_wait3A_671 = tpu.memref_squeeze %dma_wait3A_670 : memref<1x20x64xf32, #tpu.memory_space<vmem>> -> memref<20x64xf32, #tpu.memory_space<vmem>>
      %dma_wait3A_672 = arith.constant 0 : i32
      %dma_wait3A_673 = arith.constant 0 : i32
      %dma_wait3A_674 = tpu.memref_slice %arg2[%add3A_141, %dma_wait3A_672, %dma_wait3A_673] : memref<45056x20x64xf32, #tpu.memory_space<hbm>> -> memref<1x20x64xf32, #tpu.memory_space<hbm>>
      %dma_wait3A_675 = tpu.memref_squeeze %dma_wait3A_674 : memref<1x20x64xf32, #tpu.memory_space<hbm>> -> memref<20x64xf32, #tpu.memory_space<hbm>>
      %dma_wait3A_676 = arith.constant 0 : i32
      %dma_wait3A_677 = arith.constant 0 : i32
      %dma_wait3A_678 = tpu.memref_slice %arg6[%dma_wait3A_667, %dma_wait3A_676, %dma_wait3A_677] : memref<16x20x64xf32, #tpu.memory_space<vmem>> -> memref<1x20x64xf32, #tpu.memory_space<vmem>>
      %dma_wait3A_679 = tpu.memref_squeeze %dma_wait3A_678 : memref<1x20x64xf32, #tpu.memory_space<vmem>> -> memref<20x64xf32, #tpu.memory_space<vmem>>
      %dma_wait3A_680 = arith.constant 0 : i32
      %dma_wait3A_681 = arith.constant 0 : i32
      %dma_wait3A_682 = tpu.memref_slice %arg2[%add3A_141, %dma_wait3A_680, %dma_wait3A_681] : memref<45056x20x64xf32, #tpu.memory_space<hbm>> -> memref<1x20x64xf32, #tpu.memory_space<hbm>>
      %dma_wait3A_683 = tpu.memref_squeeze %dma_wait3A_682 : memref<1x20x64xf32, #tpu.memory_space<hbm>> -> memref<20x64xf32, #tpu.memory_space<hbm>>
      tpu.wait_dma2 semaphore(%arg7 : memref<!tpu.dma_semaphore, #tpu.memory_space<semaphore_mem>>) src(%dma_wait3A_683 : memref<20x64xf32, #tpu.memory_space<hbm>>) dst(%dma_wait3A_679 : memref<20x64xf32, #tpu.memory_space<vmem>>)
      %add3A_684 = arith.addi %mul3A_2, %mul3A_13 : i32
      "tpu.region"() ({
        %run_scoped3A = tpu.sem_alloc : memref<!tpu.dma_semaphore, #tpu.memory_space<semaphore_mem>>
        %dma_start3A_685 = arith.constant 0 : i32
        %dma_start3A_686 = arith.constant 0 : i32
        %dma_start3A_687 = tpu.memref_slice %arg4[%add3A_684, %dma_start3A_685, %dma_start3A_686] : memref<4096x20x64xf32, #tpu.memory_space<hbm>> -> memref<16x20x64xf32, #tpu.memory_space<hbm>>
        %dma_start3A_688 = arith.constant 0 : i32
        %dma_start3A_689 = arith.constant 0 : i32
        %dma_start3A_690 = tpu.memref_slice %arg4[%add3A_684, %dma_start3A_688, %dma_start3A_689] : memref<4096x20x64xf32, #tpu.memory_space<hbm>> -> memref<16x20x64xf32, #tpu.memory_space<hbm>>
        tpu.enqueue_dma source(%arg6 : memref<16x20x64xf32, #tpu.memory_space<vmem>>) target(%dma_start3A_690 : memref<16x20x64xf32, #tpu.memory_space<hbm>>) target_semaphore(%run_scoped3A : memref<!tpu.dma_semaphore, #tpu.memory_space<semaphore_mem>>)
        %dma_wait3A_691 = arith.constant 0 : i32
        %dma_wait3A_692 = arith.constant 0 : i32
        %dma_wait3A_693 = tpu.memref_slice %arg4[%add3A_684, %dma_wait3A_691, %dma_wait3A_692] : memref<4096x20x64xf32, #tpu.memory_space<hbm>> -> memref<16x20x64xf32, #tpu.memory_space<hbm>>
        %dma_wait3A_694 = arith.constant 0 : i32
        %dma_wait3A_695 = arith.constant 0 : i32
        %dma_wait3A_696 = tpu.memref_slice %arg4[%add3A_684, %dma_wait3A_694, %dma_wait3A_695] : memref<4096x20x64xf32, #tpu.memory_space<hbm>> -> memref<16x20x64xf32, #tpu.memory_space<hbm>>
        tpu.wait_dma2 semaphore(%run_scoped3A : memref<!tpu.dma_semaphore, #tpu.memory_space<semaphore_mem>>) src(%arg6 : memref<16x20x64xf32, #tpu.memory_space<vmem>>) dst(%dma_wait3A_696 : memref<16x20x64xf32, #tpu.memory_space<hbm>>)
        tpu.yield
      }) : () -> ()
    }
    %scan3A_6 = arith.constant 8 : i32
    return
  }
}

</mosaic_0001>

<sc_bundles>
// kernel: kernel.3.cloned.1.call-start
scs
__scs_entry_jumppad:
0x0: {  	(pc) =	sbr.rel $0x88, $3  }
0x1: {  	(tag) =	ssettag $0x0;
	lr =	simm.s32 $0x1  }
0x2: {  	[smem:$0x3F9E] =	sst lr;
	_ =	strace $0xD0000000  }
0x3: {  	_ = 	snop  }
0x4: {  	_ = 	snop  }
0x5: {  	_ = 	snop  }
0x6: {  	_ = 	snop  }
0x7: {  	_ = 	snop  }
__scs_overlays_trampoline_lowered:
0x8: {  	[smem:$0x3FAD] =	sst s0  }
0x9: {  	[smem:$0x3FAE] =	sst s1  }
0xa: {  	[smem:$0x3FAF] =	sst s2  }
0xb: {  	[smem:$0x3FB0] =	sst s3  }
0xc: {  	[smem:$0x3FB1] =	sst s4  }
0xd: {  	[smem:$0x3FB2] =	sst s5  }
0xe: {  	[smem:$0x3FB3] =	sst s6  }
0xf: {  	[smem:$0x3FB4] =	sst s7  }
0x10: {  	[smem:$0x3FB5] =	sst s8  }
0x11: {  	[smem:$0x3FB6] =	sst s9;
	s0 =	simm.s32 @!p0 $0x0  }
0x12: {  	s1 =	sld [smem:$0x3F9C];
	s0 =	simm.s32 @p0 $0x1  }
0x13: {  	[smem:$0x3FB7] =	sst s0;
	s0 =	simm.s32 @!p1 $0x0  }
0x14: {  	s2 =	sld [smem:$0x3F9B];
	s0 =	simm.s32 @p1 $0x1  }
0x15: {  	[smem:$0x3FB8] =	sst s0;
	s0 =	simm.s32 @!p2 $0x0  }
0x16: {  	s3 =	sld [smem:$0x3FDB];
	s0 =	simm.s32 @p2 $0x1  }
0x17: {  	s4 =	simm.s32 $0x1BF5;
	[smem:$0x3FBA] =	sst s0  }
0x18: {  	s0 =	sld [smem:$0x3F9D];
	_ =	swait.ge [sflag:s4], $0x0  }
0x19: {  	s7 =	sld [smem:$0x3F9E]  }
0x1a: {  	s8 =	sadd.s32 $0xFFFFE003, lr  }
0x1b: {  	s9 =	sadd.s32 $0xFFFFFEF7, lr;
	s5 =	simm.s32 $0xFFFFFFFF;
	p2 =	slt.u32 s8, $0xFFFFF086  }
0x1c: {  	p1 =	slt.u32 s9, $0xF7A;
	s5 =	simm.s32 @!p2 $0x0  }
0x1d: {  	s5 =	simm.s32 @p1 $0x1;
	p0 =	seq.s32 s7, s2  }
0x1e: {  	s7 =	smul.u32 @!p0 $0xF7A, s2;
	p2 =	seq.s32 @!p0 s5, $0x0  }
0x1f: {  	s9 =	smul.u32 $0xF7A, s1;
	s8 =	simm.s32 @!p0 $0x1BF5;
	p2 =	por !p2, p0  }
0x20: {  	[sflag:s8] =	ssyncset.s32 @!p0 $0xFFFFF086;
	s6 =	sadd.s32 @!p0 s3, s7;
	s7 =	simm.s32 @!p0 $0x108  }
0x21: {  	s3 =	sadd.s32 s3, s9;
	s6 =	sadd.s32 @!p0 $0x88, s6;
	s7 =	simm.s32 @p2 $0x1082  }
0x22: {  	[simem:s7], [sflag:s8] =	dma.local @!p0 [hbm:s6], $0xF7A  }
0x23: {  	s9 =	sor.u32 $0xD0000000, s2;
	s6 =	simm.s32 $0x108;
	_ =	swait.ge @!p0 [sflag:s8], $0x0  }
0x24: {  	s3 =	sadd.s32 $0x88, s3;
	s6 =	simm.s32 @!p1 $0x1082;
	[sflag:s4] =	ssyncset.s32 $0xFFFFF086  }
0x25: {  	[simem:s6], [sflag:s4] =	dma.local [hbm:s3], $0xF7A  }
0x26: {  	[smem:$0x3F9E] =	sst s1;
	(tag) =	ssettag s2;
	_ =	strace s9  }
0x27: {  	s1 =	sld [smem:$0x3FAE]  }
0x28: {  	s2 =	sld [smem:$0x3FAF]  }
0x29: {  	s4 =	sld [smem:$0x3FB1]  }
0x2a: {  	p0 =	seq.s32 s5, $0x0;
	s5 =	sld [smem:$0x3FB2]  }
0x2b: {  	s6 =	sld [smem:$0x3FB3]  }
0x2c: {  	s7 =	sld [smem:$0x3FB4]  }
0x2d: {  	s3 =	simm.s32 $0x108;
	s8 =	sld [smem:$0x3FB5]  }
0x2e: {  	s3 =	simm.s32 @!p0 $0x1082;
	s9 =	sld [smem:$0x3FB6]  }
0x2f: {  	lr =	sadd.s32 s0, s3;
	s0 =	sld [smem:$0x3FAD]  }
0x30: {  	s3 =	sld [smem:$0x3FB0]  }
0x31: {  	[smem:$0x3FB9] =	sst s10  }
0x32: {  	s10 =	sld [smem:$0x3FB7];
	_ =	sdelay $0x3  }
0x33: {  	p0 =	seq.s32 s10, $0x1;
	s10 =	sld [smem:$0x3FB9];
	_ =	sdelay $0x3  }
0x34: {  	[smem:$0x3FB9] =	sst s10  }
0x35: {  	s10 =	sld [smem:$0x3FB8];
	_ =	sdelay $0x3  }
0x36: {  	p1 =	seq.s32 s10, $0x1;
	s10 =	sld [smem:$0x3FB9];
	_ =	sdelay $0x3  }
0x37: {  	[smem:$0x3FB9] =	sst s10  }
0x38: {  	s10 =	sld [smem:$0x3FBA]  }
0x39: {  	_ = 	snop;
	(pc) =	sbr.ind lr, $3  }
0x3a: {  	_ = 	snop  }
0x3b: {  	_ = 	snop  }
0x3c: {  	p2 =	seq.s32 s10, $0x1;
	s10 =	sld [smem:$0x3FB9]  }
0x3d: {  	_ =	shalt  }
0x3e: {  	_ =	shalt  }
0x3f: {  	_ =	shalt  }
0x40: {  	_ =	shalt  }
0x41: {  	_ =	shalt  }
0x42: {  	_ =	shalt  }
0x43: {  	_ =	shalt  }
0x44: {  	_ =	shalt  }
0x45: {  	_ =	shalt  }
0x46: {  	_ =	shalt  }
0x47: {  	_ =	shalt  }
0x48: {  	_ =	shalt  }
0x49: {  	_ =	shalt  }
0x4a: {  	_ =	shalt  }
0x4b: {  	_ =	shalt  }
0x4c: {  	_ =	shalt  }
0x4d: {  	_ =	shalt  }
0x4e: {  	_ =	shalt  }
0x4f: {  	_ =	shalt  }
0x50: {  	_ =	shalt  }
0x51: {  	_ =	shalt  }
0x52: {  	_ =	shalt  }
0x53: {  	_ =	shalt  }
0x54: {  	_ =	shalt  }
0x55: {  	_ =	shalt  }
0x56: {  	_ =	shalt  }
0x57: {  	_ =	shalt  }
0x58: {  	_ =	shalt  }
0x59: {  	_ =	shalt  }
0x5a: {  	_ =	shalt  }
0x5b: {  	_ =	shalt  }
0x5c: {  	_ =	shalt  }
0x5d: {  	_ =	shalt  }
0x5e: {  	_ =	shalt  }
0x5f: {  	_ =	shalt  }
0x60: {  	_ =	shalt  }
0x61: {  	_ =	shalt  }
0x62: {  	_ =	shalt  }
0x63: {  	_ =	shalt  }
0x64: {  	_ =	shalt  }
0x65: {  	_ =	shalt  }
0x66: {  	_ =	shalt  }
0x67: {  	_ =	shalt  }
0x68: {  	_ =	shalt  }
0x69: {  	_ =	shalt  }
0x6a: {  	_ =	shalt  }
0x6b: {  	_ =	shalt  }
0x6c: {  	_ =	shalt  }
0x6d: {  	_ =	shalt  }
0x6e: {  	_ =	shalt  }
0x6f: {  	_ =	shalt  }
0x70: {  	_ =	shalt  }
0x71: {  	_ =	shalt  }
0x72: {  	_ =	shalt  }
0x73: {  	_ =	shalt  }
0x74: {  	_ =	shalt  }
0x75: {  	_ =	shalt  }
0x76: {  	_ =	shalt  }
0x77: {  	_ =	shalt  }
0x78: {  	_ =	shalt  }
0x79: {  	_ =	shalt  }
0x7a: {  	_ =	shalt  }
0x7b: {  	_ =	shalt  }
0x7c: {  	_ =	shalt  }
0x7d: {  	_ =	shalt  }
0x7e: {  	_ =	shalt  }
0x7f: {  	_ =	shalt  }
0x80: {  	_ =	shalt  }
0x81: {  	_ =	shalt  }
0x82: {  	_ =	shalt  }
0x83: {  	_ =	shalt  }
0x84: {  	_ =	shalt  }
0x85: {  	_ =	shalt  }
0x86: {  	_ =	shalt  }
0x87: {  	_ =	shalt  }
.Lfunc_end0:
.L_simem_size_0:
called_computation_lowered:
.L_overlay_start_0:
0x88: {  	s2 =	sld [smem:$0x3FD9]  }
0x89: {  	s3 =	sld [smem:$0x3FFE];
	_ =	sdelay $0x1  }
0x8a: {  	s1 =	srdreg.scid  }
0x8b: {  	s0 =	sand.u32 $0x1, s1  }
0x8c: {  	s17 =	sshll.u32 s0, $0xA;
	s2 =	sadd.s32 s3, s2  }
0x8d: {  	s2 =	sadd.s32 s2, s17  }
0x8e: {  	[smem:$0x3FC5] =	sst s2  }
0x8f: {  	_ = 	snop  }
0x90: {  	s2 =	sld [smem:$0x3FC9];
	(tm) =	ssettm $0x1  }
0x91: {  	s18 =	sld [smem:$0x3FFB];
	_ =	sdelay $0x3  }
0x92: {  	_ =	strace s18  }
0x93: {  	s3 =	sld [smem:$0x3FFC];
	_ =	sdelay $0x3  }
0x94: {  	_ =	strace s3  }
0x95: {  	s3 =	sld [smem:$0x3FFD];
	_ =	sdelay $0x3  }
0x96: {  	_ =	strace s3  }
0x97: {  	_ =	strace $0x8FFFFFFF  }
0x98: {  	s19 =	sld [smem:$0x3FDB];
	_ =	sdelay $0x1  }
0x99: {  	s4 =	simm.s32 $_scs_section_size  }
0x9a: {  	s5 =	simm.s32 $_size__tile_overlayer_lowered;
	s6 =	simm.s32 $_tile_overlayer_lowered  }
0x9b: {  	s22 =	simm.s32 $0x1BFF;
	s21 =	sshll.u32 s6, $0x1;
	s3 =	sadd.s32 s4, s19  }
0x9c: {  	s7 =	simm.s32 $0x0;
	s20 =	sshll.u32 s5, $0x1;
	s5 =	sadd.s32 s21, s3  }
0x9d: {  	[timem:s7], [sflag:s22] =	dma.local [hbm:s5], s20  }
0x9e: {  	_ =	swait.ge [sflag:s22], s20  }
0x9f: {  	s4 =	ssub.s32 $0x0, s20;
	[sflag:s22] =	ssyncset.done $0x0  }
0xa0: {  	[sflag:s22] =	ssyncadd.s32 s4;
	_ =	sdelay $0x1  }
0xa1: {  	s23 =	simm.s32 $0x1B8B  }
0xa2: {  	_ =	swait.ge [sflag:s23], $0x1  }
0xa3: {  	[sflag:s23] =	ssyncset.done $0x0  }
0xa4: {  	s25 =	simm.s32 $0x1B8E;
	s24 =	sld [smem:$0x3FFE];
	[sflag:s23] =	ssyncadd.s32 $0xFFFFFFFF  }
0xa5: {  	s26 =	simm.s32 $execute0_lowered;
	[smem:$0x3FD2] =	sst s25  }
0xa6: {  	s5 =	sshll.u32 s26, $0x1;
	_ =	strace $0x80000046;
	[dreg:$0x1] =	wrdreg $0xFFFFFFFF  }
0xa7: {  	s28 =	simm.s32 $_size_execute0_lowered;
	s3 =	sadd.s32 s3, s5;
	[dreg:$0x0] =	wrdreg $0x0  }
0xa8: {  	s5 =	sshll.u32 s28, $0x1;
	[dreg:$0x2] =	wrdreg s3  }
0xa9: {  	[dreg:$0x3] =	wrdreg s5  }
0xaa: {  	[dreg:$0x4] =	wrdreg $0xC0  }
0xab: {  	_ =	task [dreg:s7], $0x5FFFF  }
0xac: {  	[dreg:$0x1] =	wrdreg $0xFFFFFFFF  }
0xad: {  	[dreg:$0x0] =	wrdreg $0x60  }
0xae: {  	[dreg:$0x2] =	wrdreg s24  }
0xaf: {  	[dreg:$0x3] =	wrdreg s2  }
0xb0: {  	[dreg:$0x4] =	wrdreg $0x9  }
0xb1: {  	_ =	task.clear_ibuf [dreg:s7], $0x5FFFF;
	_ =	strace $0x90000046  }
0xb2: {  	s29 =	simm.s32 $0x9;
	_ =	strace $0x80000048  }
0xb3: {  	_ =	swait.ge [sflag:s29], $0x1  }
0xb4: {  	[sflag:s29] =	ssyncadd.s32 $0xFFFFFFFF  }
0xb5: {  	_ =	strace $0x90000048  }
0xb6: {  	_ =	sfence  }
0xb7: {  	s30 =	sld [smem:$0x0];
	_ =	sdelay $0x2  }
0xb8: {  	s31 =	sshll.u32 s1, $0xD;
	s1 =	sshrl.u32 s1, $0x2  }
0xb9: {  	s3 =	sand.u32 $0x4000, s31;
	s1 =	sadd.s32 s1, s30  }
0xba: {  	s0 =	sor.u32 s3, s0;
	s1 =	sshll.u32 s1, $0x11  }
0xbb: {  	s0 =	sor.u32 s1, s0  }
0xbc: {  	s0 =	sadd.s32 $0x8F2B, s0  }
0xbd: {  	[sflag:s0] =	ssyncadd.remote.s32 $0x1  }
0xbe: {  	_ =	sfence.sel $0xFFFF  }
0xbf: {  	[dreg:$0x0] =	wrdreg $0xFFFFFFFF;
	(pc) =	sbr.abs _section_cstart, $3  }
0xc0: {  	[dreg:$0x1] =	wrdreg $0xFFFFFFFF  }
0xc1: {  	_ =	task.clear_ibuf [dreg:s7], $0x2FFFF;
	_ =	strace $0x9FFFFFFF  }
0xc2: {  	(tm) =	ssettm $0x7FFFFFFF  }
0xc3: {  	_ =	shalt  }
tec
execute0_lowered:
.L_overlay_start_1:
0x0: {  	(tag) =	ssettag $0x1  }
0x1: {  	s4 =	rddreg [dreg:$0x0]  }
0x2: {  	s5 =	rddreg [dreg:$0x1]  }
0x3: {  	s2 =	simm.s32 $0x0;
	s0 =	stileid.u32;
	s6 =	srdreg.scid  }
0x4: {  	s13 =	simm.s32 $0x3C80;
	s14 =	simm.s32 $0x4880;
	s15 =	simm.s32 $0x5480  }
0x5: {  	s16 =	simm.s32 $0x6080;
	s17 =	simm.s32 $0x6C80;
	s18 =	simm.s32 $0x7880  }
0x6: {  	s19 =	simm.s32 $0x8480;
	s20 =	simm.s32 $0x9080;
	s21 =	simm.s32 $0x9C80  }
0x7: {  	s22 =	simm.s32 $0xA880;
	s23 =	simm.s32 $0xB480;
	s24 =	simm.s32 $0x1  }
0x8: {  	s25 =	simm.s32 $0x0;
	[smem:$0x7FF] =	sst s2;
	s7 =	smul.u32 $0x18000, s0  }
0x9: {  	s3 =	sadd.s32 $0x600, s4;
	s6 =	sand.u32 $0x1, s6;
	s29 =	smul.u32 $0xB00, s0  }
0xa: {  	s8 =	sshll.u32 s0, $0x8;
	_ =	strace $0x80000047;
	s10 =	smul.u32 $0xC000, s6  }
0xb: {  	s9 =	sshll.u32 s6, $0x7;
	s11 =	ssub.s32 $0x2, s6;
	s6 =	smul.u32 $0x580, s6  }
0xc: {  	s8 =	sor.u32 s9, s8;
	s12 =	sshrl.u32 s11, $0x1;
	s7 =	sadd.s32 s7, s4  }
0xd: {  	s9 =	simm.s32 $0xC80;
	s8 =	sshrl.u32 s8, $0x3;
	s11 =	ssub.s32 s11, s12  }
0xe: {  	s7 =	sadd.s32 s10, s7;
	s31 =	sadd.s32 s6, s29;
	s10 =	simm.s32 $0x1880  }
0xf: {  	s12 =	simm.s32 $0x3080;
	s30 =	sadd.s32 s5, s8;
	s5 =	smax.u32 s11, $0x1  }
0x10: {  	s6 =	sadd.s32 $0x1080600, s7;
	[dreg:$0x3] =	wrdreg s31;
	s7 =	simm.s32 $0x2  }
0x11: {  	s8 =	simm.s32 $0x80;
	s11 =	simm.s32 $0x2480;
	[dreg:$0x4] =	wrdreg s30  }
.LBB2_1:
0x12: {  	s0 =	rddreg [dreg:$0x4]  }
0x13: {  	[tilespmem:s2], [sflag:$0x2] =	stream.linear.gather [hbm4b:s0+s2], $0x80, $0x38;
	[tilespmem:$0xC080] =	vst v63  }
0x14: {  	_ =	swait.ge [sflag:s7], $0x80  }
0x15: {  	[sflag:s7] =	ssyncset.done $0x0  }
0x16: {  	[sflag:s7] =	ssyncadd.s32 $0xFFFFFF80  }
0x17: {  	v0 =	vld [tilespmem:s2+$0x0];
	_ =	sdelay $0x3  }
0x18: {  	s26 =	rddreg [dreg:$0x3]  }
0x19: {  	v0 =	vadd.s32 s26, v0  }
0x1a: {  	v0 =	vadd.s32 s2, v0  }
0x1b: {  	v0 =	vmul.u32 $0xC00, v0;
	_ =	sdelay $0x1  }
0x1c: {  	(v2sf) =	vpush v0, $0x0  }
0x1d: {  	(v2sf) =	vpush v0, $0x1  }
0x1e: {  	(v2sf) =	vpush v0, $0x2;
	_ =	sdelay $0x1  }
0x1f: {  	(v2sf) =	vpush v0, $0x3;
	_ =	sdelay $0x2  }
0x20: {  	(v2sf) =	vpush v0, $0x4  }
0x21: {  	(v2sf) =	vpush v0, $0x5;
	_ =	sdelay $0x1  }
0x22: {  	(v2sf) =	vpush v0, $0x6;
	_ =	sdelay $0x3  }
0x23: {  	(v2sf) =	vpush v0, $0x7  }
0x24: {  	s4 =	spop (v2sf)  }
0x25: {  	(v2sf) =	vpush v0, $0x8;
	s26 =	sshrl.u32 s4, $0x3;
	s28 =	spop (v2sf)  }
0x26: {  	s26 =	sadd.s32 s3, s26;
	s28 =	sadd.s32 $0x8400, s28;
	s29 =	spop (v2sf)  }
0x27: {  	(v2sf) =	vpush v0, $0x9;
	[tilespmem:s8], [sflag:$0x1] =	stream.linear.gather [hbm4b:s26+s2], $0xA00, $0x38;
	[tilespmem:$0xC080] =	vst v63  }
0x28: {  	s0 =	sshrl.u32 s28, $0x3;
	s28 =	sadd.s32 $0x10800, s29;
	s29 =	spop (v2sf)  }
0x29: {  	s26 =	sadd.s32 s3, s0;
	s28 =	sshrl.u32 s28, $0x3;
	s29 =	sadd.s32 $0x18C00, s29  }
0x2a: {  	(v2sf) =	vpush v0, $0xA;
	[tilespmem:s9], [sflag:$0x1] =	stream.linear.gather [hbm4b:s26+s2], $0xA00, $0x38;
	[tilespmem:$0xC080] =	vst v63  }
0x2b: {  	(v2sf) =	vpush v0, $0xB;
	s1 =	sadd.s32 s3, s28;
	s28 =	sshrl.u32 s29, $0x3;
	s29 =	spop (v2sf)  }
0x2c: {  	s28 =	sadd.s32 s3, s28;
	s29 =	sadd.s32 $0x21000, s29;
	s30 =	spop (v2sf)  }
0x2d: {  	(v2sf) =	vpush v0, $0xC;
	[tilespmem:s10], [sflag:$0x1] =	stream.linear.gather [hbm4b:s1+s2], $0xA00, $0x38;
	[tilespmem:$0xC080] =	vst v63  }
0x2e: {  	s4 =	sshrl.u32 s29, $0x3;
	s29 =	sadd.s32 $0x29400, s30;
	s30 =	spop (v2sf)  }
0x2f: {  	[tilespmem:s11], [sflag:$0x1] =	stream.linear.gather [hbm4b:s28+s2], $0xA00, $0x38;
	[tilespmem:$0xC080] =	vst v63  }
0x30: {  	(v2sf) =	vpush v0, $0xD;
	s26 =	sadd.s32 s3, s4;
	s28 =	sshrl.u32 s29, $0x3;
	s29 =	sadd.s32 $0x31800, s30  }
0x31: {  	[tilespmem:s12], [sflag:$0x1] =	stream.linear.gather [hbm4b:s26+s2], $0xA00, $0x38;
	[tilespmem:$0xC080] =	vst v63  }
0x32: {  	s0 =	sadd.s32 s3, s28;
	s28 =	sshrl.u32 s29, $0x3;
	s29 =	spop (v2sf)  }
0x33: {  	[tilespmem:s13], [sflag:$0x1] =	stream.linear.gather [hbm4b:s0+s2], $0xA00, $0x38;
	[tilespmem:$0xC080] =	vst v63  }
0x34: {  	(v2sf) =	vpush v0, $0xE;
	s28 =	sadd.s32 s3, s28;
	s29 =	sadd.s32 $0x39C00, s29;
	s30 =	spop (v2sf)  }
0x35: {  	[tilespmem:s14], [sflag:$0x1] =	stream.linear.gather [hbm4b:s28+s2], $0xA00, $0x38;
	[tilespmem:$0xC080] =	vst v63  }
0x36: {  	s1 =	sshrl.u32 s29, $0x3;
	s29 =	sadd.s32 $0x42000, s30;
	s30 =	spop (v2sf)  }
0x37: {  	s26 =	sadd.s32 s3, s1;
	s28 =	sshrl.u32 s29, $0x3;
	s29 =	sadd.s32 $0x4A400, s30  }
0x38: {  	(v2sf) =	vpush v0, $0xF;
	[tilespmem:s15], [sflag:$0x1] =	stream.linear.gather [hbm4b:s26+s2], $0xA00, $0x38;
	[tilespmem:$0xC080] =	vst v63  }
0x39: {  	s4 =	sadd.s32 s3, s28;
	s28 =	sshrl.u32 s29, $0x3;
	s29 =	spop (v2sf)  }
0x3a: {  	s28 =	sadd.s32 s3, s28;
	s29 =	sadd.s32 $0x52800, s29;
	s30 =	spop (v2sf)  }
0x3b: {  	[tilespmem:s16], [sflag:$0x1] =	stream.linear.gather [hbm4b:s4+s2], $0xA00, $0x38;
	[tilespmem:$0xC080] =	vst v63  }
0x3c: {  	s0 =	sshrl.u32 s29, $0x3;
	s29 =	sadd.s32 $0x5AC00, s30;
	s30 =	spop (v2sf)  }
0x3d: {  	[tilespmem:s17], [sflag:$0x1] =	stream.linear.gather [hbm4b:s28+s2], $0xA00, $0x38;
	[tilespmem:$0xC080] =	vst v63  }
0x3e: {  	s26 =	sadd.s32 s3, s0;
	s28 =	sshrl.u32 s29, $0x3;
	s29 =	sadd.s32 $0x63000, s30  }
0x3f: {  	s1 =	sadd.s32 s3, s28;
	s28 =	sshrl.u32 s29, $0x3;
	s29 =	spop (v2sf)  }
0x40: {  	[tilespmem:s18], [sflag:$0x1] =	stream.linear.gather [hbm4b:s26+s2], $0xA00, $0x38;
	[tilespmem:$0xC080] =	vst v63  }
0x41: {  	s29 =	sadd.s32 $0x6B400, s29  }
0x42: {  	[tilespmem:s19], [sflag:$0x1] =	stream.linear.gather [hbm4b:s1+s2], $0xA00, $0x38;
	[tilespmem:$0xC080] =	vst v63  }
0x43: {  	s28 =	sadd.s32 s3, s28;
	s30 =	spop (v2sf);
	s4 =	sshrl.u32 s29, $0x3  }
0x44: {  	[tilespmem:s20], [sflag:$0x1] =	stream.linear.gather [hbm4b:s28+s2], $0xA00, $0x38;
	[tilespmem:$0xC080] =	vst v63  }
0x45: {  	s29 =	sadd.s32 $0x73800, s30;
	s26 =	sadd.s32 s3, s4  }
0x46: {  	[tilespmem:s21], [sflag:$0x1] =	stream.linear.gather [hbm4b:s26+s2], $0xA00, $0x38;
	[tilespmem:$0xC080] =	vst v63  }
0x47: {  	s28 =	sshrl.u32 s29, $0x3;
	s30 =	spop (v2sf)  }
0x48: {  	s0 =	sadd.s32 s3, s28;
	s29 =	sadd.s32 $0x7BC00, s30  }
0x49: {  	[tilespmem:s22], [sflag:$0x1] =	stream.linear.gather [hbm4b:s0+s2], $0xA00, $0x38;
	[tilespmem:$0xC080] =	vst v63  }
0x4a: {  	s28 =	sshrl.u32 s29, $0x3  }
0x4b: {  	s1 =	sadd.s32 s3, s28  }
0x4c: {  	[tilespmem:s23], [sflag:$0x1] =	stream.linear.gather [hbm4b:s1+s2], $0xA00, $0x38;
	[tilespmem:$0xC080] =	vst v63  }
0x4d: {  	_ =	swait.ge [sflag:s24], $0xA00  }
0x4e: {  	[sflag:s24] =	ssyncset.done $0x0  }
0x4f: {  	[sflag:s24] =	ssyncadd.s32 $0xFFFFF600  }
0x50: {  	_ =	swait.ge [sflag:s24], $0xA00  }
0x51: {  	[sflag:s24] =	ssyncset.done $0x0  }
0x52: {  	[sflag:s24] =	ssyncadd.s32 $0xFFFFF600  }
0x53: {  	_ =	swait.ge [sflag:s24], $0xA00  }
0x54: {  	[sflag:s24] =	ssyncset.done $0x0  }
0x55: {  	[sflag:s24] =	ssyncadd.s32 $0xFFFFF600  }
0x56: {  	_ =	swait.ge [sflag:s24], $0xA00  }
0x57: {  	[sflag:s24] =	ssyncset.done $0x0  }
0x58: {  	[sflag:s24] =	ssyncadd.s32 $0xFFFFF600  }
0x59: {  	_ =	swait.ge [sflag:s24], $0xA00  }
0x5a: {  	[sflag:s24] =	ssyncset.done $0x0  }
0x5b: {  	[sflag:s24] =	ssyncadd.s32 $0xFFFFF600  }
0x5c: {  	_ =	swait.ge [sflag:s24], $0xA00  }
0x5d: {  	[sflag:s24] =	ssyncset.done $0x0  }
0x5e: {  	[sflag:s24] =	ssyncadd.s32 $0xFFFFF600  }
0x5f: {  	_ =	swait.ge [sflag:s24], $0xA00  }
0x60: {  	[sflag:s24] =	ssyncset.done $0x0  }
0x61: {  	[sflag:s24] =	ssyncadd.s32 $0xFFFFF600  }
0x62: {  	_ =	swait.ge [sflag:s24], $0xA00  }
0x63: {  	[sflag:s24] =	ssyncset.done $0x0  }
0x64: {  	[sflag:s24] =	ssyncadd.s32 $0xFFFFF600  }
0x65: {  	_ =	swait.ge [sflag:s24], $0xA00  }
0x66: {  	[sflag:s24] =	ssyncset.done $0x0  }
0x67: {  	[sflag:s24] =	ssyncadd.s32 $0xFFFFF600  }
0x68: {  	_ =	swait.ge [sflag:s24], $0xA00  }
0x69: {  	[sflag:s24] =	ssyncset.done $0x0  }
0x6a: {  	[sflag:s24] =	ssyncadd.s32 $0xFFFFF600  }
0x6b: {  	_ =	swait.ge [sflag:s24], $0xA00  }
0x6c: {  	[sflag:s24] =	ssyncset.done $0x0  }
0x6d: {  	[sflag:s24] =	ssyncadd.s32 $0xFFFFF600  }
0x6e: {  	_ =	swait.ge [sflag:s24], $0xA00  }
0x6f: {  	[sflag:s24] =	ssyncset.done $0x0  }
0x70: {  	[sflag:s24] =	ssyncadd.s32 $0xFFFFF600  }
0x71: {  	_ =	swait.ge [sflag:s24], $0xA00  }
0x72: {  	[sflag:s24] =	ssyncset.done $0x0  }
0x73: {  	[sflag:s24] =	ssyncadd.s32 $0xFFFFF600  }
0x74: {  	_ =	swait.ge [sflag:s24], $0xA00  }
0x75: {  	[sflag:s24] =	ssyncset.done $0x0  }
0x76: {  	[sflag:s24] =	ssyncadd.s32 $0xFFFFF600  }
0x77: {  	_ =	swait.ge [sflag:s24], $0xA00  }
0x78: {  	[sflag:s24] =	ssyncset.done $0x0  }
0x79: {  	[sflag:s24] =	ssyncadd.s32 $0xFFFFF600  }
0x7a: {  	_ =	swait.ge [sflag:s24], $0xA00  }
0x7b: {  	[sflag:s24] =	ssyncset.done $0x0  }
0x7c: {  	[sflag:s24] =	ssyncadd.s32 $0xFFFFF600  }
0x7d: {  	[hbm4b:s6+s2] =	stream.linear.scatter [tilespmem:s8], [sflag:$0x2], $0xA00, $0x38;
	[tilespmem:$0xC080] =	vst v63  }
0x7e: {  	s4 =	sadd.s32 $0x180, s6  }
0x7f: {  	[hbm4b:s4+s2] =	stream.linear.scatter [tilespmem:s9], [sflag:$0x2], $0xA00, $0x38;
	[tilespmem:$0xC080] =	vst v63  }
0x80: {  	s0 =	sadd.s32 $0x300, s6  }
0x81: {  	[hbm4b:s0+s2] =	stream.linear.scatter [tilespmem:s10], [sflag:$0x2], $0xA00, $0x38;
	[tilespmem:$0xC080] =	vst v63  }
0x82: {  	s1 =	sadd.s32 $0x480, s6  }
0x83: {  	[hbm4b:s1+s2] =	stream.linear.scatter [tilespmem:s11], [sflag:$0x2], $0xA00, $0x38;
	[tilespmem:$0xC080] =	vst v63  }
0x84: {  	s4 =	sadd.s32 $0x600, s6  }
0x85: {  	[hbm4b:s4+s2] =	stream.linear.scatter [tilespmem:s12], [sflag:$0x2], $0xA00, $0x38;
	[tilespmem:$0xC080] =	vst v63  }
0x86: {  	s0 =	sadd.s32 $0x780, s6  }
0x87: {  	[hbm4b:s0+s2] =	stream.linear.scatter [tilespmem:s13], [sflag:$0x2], $0xA00, $0x38;
	[tilespmem:$0xC080] =	vst v63  }
0x88: {  	s1 =	sadd.s32 $0x900, s6  }
0x89: {  	[hbm4b:s1+s2] =	stream.linear.scatter [tilespmem:s14], [sflag:$0x2], $0xA00, $0x38;
	[tilespmem:$0xC080] =	vst v63  }
0x8a: {  	s4 =	sadd.s32 $0xA80, s6  }
0x8b: {  	[hbm4b:s4+s2] =	stream.linear.scatter [tilespmem:s15], [sflag:$0x2], $0xA00, $0x38;
	[tilespmem:$0xC080] =	vst v63  }
0x8c: {  	s0 =	sadd.s32 $0xC00, s6  }
0x8d: {  	[hbm4b:s0+s2] =	stream.linear.scatter [tilespmem:s16], [sflag:$0x2], $0xA00, $0x38;
	[tilespmem:$0xC080] =	vst v63  }
0x8e: {  	s1 =	sadd.s32 $0xD80, s6  }
0x8f: {  	[hbm4b:s1+s2] =	stream.linear.scatter [tilespmem:s17], [sflag:$0x2], $0xA00, $0x38;
	[tilespmem:$0xC080] =	vst v63  }
0x90: {  	s4 =	sadd.s32 $0xF00, s6  }
0x91: {  	[hbm4b:s4+s2] =	stream.linear.scatter [tilespmem:s18], [sflag:$0x2], $0xA00, $0x38;
	[tilespmem:$0xC080] =	vst v63  }
0x92: {  	s31 =	sadd.s32 $0x1500, s6;
	s0 =	sadd.s32 $0x1080, s6  }
0x93: {  	[hbm4b:s0+s2] =	stream.linear.scatter [tilespmem:s19], [sflag:$0x2], $0xA00, $0x38;
	[tilespmem:$0xC080] =	vst v63  }
0x94: {  	s26 =	sadd.s32 $0x1680, s6;
	s30 =	simm.s32 $0x10;
	s1 =	sadd.s32 $0x1200, s6  }
0x95: {  	[hbm4b:s1+s2] =	stream.linear.scatter [tilespmem:s20], [sflag:$0x2], $0xA00, $0x38;
	[tilespmem:$0xC080] =	vst v63  }
0x96: {  	s29 =	sadd.s32 $0x1800, s6;
	s28 =	simm.s32 $0xB0;
	s4 =	sadd.s32 $0x1380, s6  }
0x97: {  	[hbm4b:s4+s2] =	stream.linear.scatter [tilespmem:s21], [sflag:$0x2], $0xA00, $0x38;
	[tilespmem:$0xC080] =	vst v63  }
.LBB2_2:
0x98: {  	[hbm4b:s31+s2] =	stream.linear.scatter [tilespmem:s22], [sflag:$0x2], $0xA00, $0x38;
	[tilespmem:$0xC080] =	vst v63  }
0x99: {  	_ = 	snop  }
0x9a: {  	[hbm4b:s26+s2] =	stream.linear.scatter [tilespmem:s23], [sflag:$0x2], $0xA00, $0x38;
	[tilespmem:$0xC080] =	vst v63  }
0x9b: {  	_ =	swait.ge [sflag:s7], $0xA000  }
0x9c: {  	[sflag:s7] =	ssyncset.done $0x0  }
0x9d: {  	[sflag:s7] =	ssyncadd.s32 $0xFFFF6000  }
0x9e: {  	v0 =	vld [tilespmem:s30+$0x0];
	_ =	sdelay $0x3  }
0x9f: {  	s4 =	rddreg [dreg:$0x3]  }
0xa0: {  	s31 =	smov.u32 s28;
	v0 =	vadd.s32 s4, v0  }
0xa1: {  	v0 =	vadd.s32 s31, v0  }
0xa2: {  	v0 =	vmul.u32 $0xC00, v0;
	_ =	sdelay $0x1  }
0xa3: {  	(v2sf) =	vpush v0, $0x0  }
0xa4: {  	(v2sf) =	vpush v0, $0x1  }
0xa5: {  	(v2sf) =	vpush v0, $0x2;
	_ =	sdelay $0x1  }
0xa6: {  	(v2sf) =	vpush v0, $0x3;
	_ =	sdelay $0x2  }
0xa7: {  	(v2sf) =	vpush v0, $0x4  }
0xa8: {  	(v2sf) =	vpush v0, $0x5;
	_ =	sdelay $0x1  }
0xa9: {  	(v2sf) =	vpush v0, $0x6;
	_ =	sdelay $0x3  }
0xaa: {  	(v2sf) =	vpush v0, $0x7  }
0xab: {  	s0 =	sadd.s32 $0x1680, s29;
	s1 =	spop (v2sf)  }
0xac: {  	s26 =	smov.u32 s0;
	(v2sf) =	vpush v0, $0x8;
	s0 =	sshrl.u32 s1, $0x3;
	s31 =	spop (v2sf)  }
0xad: {  	s0 =	sadd.s32 s3, s0;
	s31 =	sadd.s32 $0x8400, s31;
	s1 =	spop (v2sf)  }
0xae: {  	(v2sf) =	vpush v0, $0x9;
	[tilespmem:s8], [sflag:$0x1] =	stream.linear.gather [hbm4b:s0+s2], $0xA00, $0x38;
	[tilespmem:$0xC080] =	vst v63  }
0xaf: {  	s4 =	sshrl.u32 s31, $0x3;
	s1 =	sadd.s32 $0x10800, s1;
	s31 =	spop (v2sf)  }
0xb0: {  	s0 =	sadd.s32 s3, s4;
	s1 =	sshrl.u32 s1, $0x3;
	s31 =	sadd.s32 $0x18C00, s31  }
0xb1: {  	(v2sf) =	vpush v0, $0xA;
	[tilespmem:s9], [sflag:$0x1] =	stream.linear.gather [hbm4b:s0+s2], $0xA00, $0x38;
	[tilespmem:$0xC080] =	vst v63  }
0xb2: {  	(v2sf) =	vpush v0, $0xB;
	s0 =	sadd.s32 s3, s1;
	s4 =	sshrl.u32 s31, $0x3;
	s31 =	spop (v2sf)  }
0xb3: {  	s1 =	sadd.s32 s3, s4;
	s31 =	sadd.s32 $0x21000, s31;
	s4 =	spop (v2sf)  }
0xb4: {  	(v2sf) =	vpush v0, $0xC;
	[tilespmem:s10], [sflag:$0x1] =	stream.linear.gather [hbm4b:s0+s2], $0xA00, $0x38;
	[tilespmem:$0xC080] =	vst v63  }
0xb5: {  	s0 =	sshrl.u32 s31, $0x3;
	s4 =	sadd.s32 $0x29400, s4;
	s31 =	spop (v2sf)  }
0xb6: {  	[tilespmem:s11], [sflag:$0x1] =	stream.linear.gather [hbm4b:s1+s2], $0xA00, $0x38;
	[tilespmem:$0xC080] =	vst v63  }
0xb7: {  	s0 =	sadd.s32 s3, s0;
	s1 =	sshrl.u32 s4, $0x3;
	s4 =	sadd.s32 $0x31800, s31  }
0xb8: {  	(v2sf) =	vpush v0, $0xD;
	[tilespmem:s12], [sflag:$0x1] =	stream.linear.gather [hbm4b:s0+s2], $0xA00, $0x38;
	[tilespmem:$0xC080] =	vst v63  }
0xb9: {  	s0 =	sadd.s32 s3, s1;
	s1 =	sshrl.u32 s4, $0x3;
	s4 =	spop (v2sf)  }
0xba: {  	[tilespmem:s13], [sflag:$0x1] =	stream.linear.gather [hbm4b:s0+s2], $0xA00, $0x38;
	[tilespmem:$0xC080] =	vst v63  }
0xbb: {  	(v2sf) =	vpush v0, $0xE;
	s1 =	sadd.s32 s3, s1;
	s4 =	sadd.s32 $0x39C00, s4;
	s31 =	spop (v2sf)  }
0xbc: {  	[tilespmem:s14], [sflag:$0x1] =	stream.linear.gather [hbm4b:s1+s2], $0xA00, $0x38;
	[tilespmem:$0xC080] =	vst v63  }
0xbd: {  	s0 =	sshrl.u32 s4, $0x3;
	s4 =	sadd.s32 $0x42000, s31;
	s31 =	spop (v2sf)  }
0xbe: {  	s0 =	sadd.s32 s3, s0;
	s1 =	sshrl.u32 s4, $0x3;
	s4 =	sadd.s32 $0x4A400, s31  }
0xbf: {  	(v2sf) =	vpush v0, $0xF;
	[tilespmem:s15], [sflag:$0x1] =	stream.linear.gather [hbm4b:s0+s2], $0xA00, $0x38;
	[tilespmem:$0xC080] =	vst v63  }
0xc0: {  	s0 =	sadd.s32 s3, s1;
	s1 =	sshrl.u32 s4, $0x3;
	s4 =	spop (v2sf)  }
0xc1: {  	s1 =	sadd.s32 s3, s1;
	s4 =	sadd.s32 $0x52800, s4;
	s31 =	spop (v2sf)  }
0xc2: {  	[tilespmem:s16], [sflag:$0x1] =	stream.linear.gather [hbm4b:s0+s2], $0xA00, $0x38;
	[tilespmem:$0xC080] =	vst v63  }
0xc3: {  	s0 =	sshrl.u32 s4, $0x3;
	s4 =	sadd.s32 $0x5AC00, s31;
	s31 =	spop (v2sf)  }
0xc4: {  	[tilespmem:s17], [sflag:$0x1] =	stream.linear.gather [hbm4b:s1+s2], $0xA00, $0x38;
	[tilespmem:$0xC080] =	vst v63  }
0xc5: {  	s0 =	sadd.s32 s3, s0;
	s1 =	sshrl.u32 s4, $0x3;
	s4 =	sadd.s32 $0x63000, s31  }
0xc6: {  	[tilespmem:s18], [sflag:$0x1] =	stream.linear.gather [hbm4b:s0+s2], $0xA00, $0x38;
	[tilespmem:$0xC080] =	vst v63  }
0xc7: {  	s0 =	sadd.s32 s3, s1;
	s1 =	sshrl.u32 s4, $0x3;
	s4 =	spop (v2sf)  }
0xc8: {  	s4 =	sadd.s32 $0x6B400, s4  }
0xc9: {  	[tilespmem:s19], [sflag:$0x1] =	stream.linear.gather [hbm4b:s0+s2], $0xA00, $0x38;
	[tilespmem:$0xC080] =	vst v63  }
0xca: {  	s1 =	sadd.s32 s3, s1;
	s31 =	spop (v2sf);
	s0 =	sshrl.u32 s4, $0x3  }
0xcb: {  	[tilespmem:s20], [sflag:$0x1] =	stream.linear.gather [hbm4b:s1+s2], $0xA00, $0x38;
	[tilespmem:$0xC080] =	vst v63  }
0xcc: {  	s4 =	sadd.s32 $0x73800, s31;
	s0 =	sadd.s32 s3, s0  }
0xcd: {  	[tilespmem:s21], [sflag:$0x1] =	stream.linear.gather [hbm4b:s0+s2], $0xA00, $0x38;
	[tilespmem:$0xC080] =	vst v63  }
0xce: {  	s1 =	sshrl.u32 s4, $0x3;
	s31 =	spop (v2sf)  }
0xcf: {  	s1 =	sadd.s32 s3, s1;
	s4 =	sadd.s32 $0x7BC00, s31  }
0xd0: {  	[tilespmem:s22], [sflag:$0x1] =	stream.linear.gather [hbm4b:s1+s2], $0xA00, $0x38;
	[tilespmem:$0xC080] =	vst v63  }
0xd1: {  	s4 =	sshrl.u32 s4, $0x3  }
0xd2: {  	s1 =	sadd.s32 s3, s4  }
0xd3: {  	[tilespmem:s23], [sflag:$0x1] =	stream.linear.gather [hbm4b:s1+s2], $0xA00, $0x38;
	[tilespmem:$0xC080] =	vst v63  }
0xd4: {  	_ =	swait.ge [sflag:s24], $0xA00  }
0xd5: {  	[sflag:s24] =	ssyncset.done $0x0  }
0xd6: {  	[sflag:s24] =	ssyncadd.s32 $0xFFFFF600  }
0xd7: {  	_ =	swait.ge [sflag:s24], $0xA00  }
0xd8: {  	[sflag:s24] =	ssyncset.done $0x0  }
0xd9: {  	[sflag:s24] =	ssyncadd.s32 $0xFFFFF600  }
0xda: {  	_ =	swait.ge [sflag:s24], $0xA00  }
0xdb: {  	[sflag:s24] =	ssyncset.done $0x0  }
0xdc: {  	[sflag:s24] =	ssyncadd.s32 $0xFFFFF600  }
0xdd: {  	_ =	swait.ge [sflag:s24], $0xA00  }
0xde: {  	[sflag:s24] =	ssyncset.done $0x0  }
0xdf: {  	[sflag:s24] =	ssyncadd.s32 $0xFFFFF600  }
0xe0: {  	_ =	swait.ge [sflag:s24], $0xA00  }
0xe1: {  	[sflag:s24] =	ssyncset.done $0x0  }
0xe2: {  	[sflag:s24] =	ssyncadd.s32 $0xFFFFF600  }
0xe3: {  	_ =	swait.ge [sflag:s24], $0xA00  }
0xe4: {  	[sflag:s24] =	ssyncset.done $0x0  }
0xe5: {  	[sflag:s24] =	ssyncadd.s32 $0xFFFFF600  }
0xe6: {  	_ =	swait.ge [sflag:s24], $0xA00  }
0xe7: {  	[sflag:s24] =	ssyncset.done $0x0  }
0xe8: {  	[sflag:s24] =	ssyncadd.s32 $0xFFFFF600  }
0xe9: {  	_ =	swait.ge [sflag:s24], $0xA00  }
0xea: {  	[sflag:s24] =	ssyncset.done $0x0  }
0xeb: {  	[sflag:s24] =	ssyncadd.s32 $0xFFFFF600  }
0xec: {  	_ =	swait.ge [sflag:s24], $0xA00  }
0xed: {  	[sflag:s24] =	ssyncset.done $0x0  }
0xee: {  	[sflag:s24] =	ssyncadd.s32 $0xFFFFF600  }
0xef: {  	_ =	swait.ge [sflag:s24], $0xA00  }
0xf0: {  	[sflag:s24] =	ssyncset.done $0x0  }
0xf1: {  	[sflag:s24] =	ssyncadd.s32 $0xFFFFF600  }
0xf2: {  	_ =	swait.ge [sflag:s24], $0xA00  }
0xf3: {  	[sflag:s24] =	ssyncset.done $0x0  }
0xf4: {  	[sflag:s24] =	ssyncadd.s32 $0xFFFFF600  }
0xf5: {  	_ =	swait.ge [sflag:s24], $0xA00  }
0xf6: {  	[sflag:s24] =	ssyncset.done $0x0  }
0xf7: {  	[sflag:s24] =	ssyncadd.s32 $0xFFFFF600  }
0xf8: {  	_ =	swait.ge [sflag:s24], $0xA00  }
0xf9: {  	[sflag:s24] =	ssyncset.done $0x0  }
0xfa: {  	[sflag:s24] =	ssyncadd.s32 $0xFFFFF600  }
0xfb: {  	_ =	swait.ge [sflag:s24], $0xA00  }
0xfc: {  	[sflag:s24] =	ssyncset.done $0x0  }
0xfd: {  	[sflag:s24] =	ssyncadd.s32 $0xFFFFF600  }
0xfe: {  	_ =	swait.ge [sflag:s24], $0xA00  }
0xff: {  	[sflag:s24] =	ssyncset.done $0x0  }
0x100: {  	[sflag:s24] =	ssyncadd.s32 $0xFFFFF600  }
0x101: {  	_ =	swait.ge [sflag:s24], $0xA00  }
0x102: {  	[sflag:s24] =	ssyncset.done $0x0  }
0x103: {  	[sflag:s24] =	ssyncadd.s32 $0xFFFFF600  }
0x104: {  	[hbm4b:s29+s2] =	stream.linear.scatter [tilespmem:s8], [sflag:$0x2], $0xA00, $0x38;
	[tilespmem:$0xC080] =	vst v63  }
0x105: {  	s4 =	sadd.s32 $0x180, s29  }
0x106: {  	[hbm4b:s4+s2] =	stream.linear.scatter [tilespmem:s9], [sflag:$0x2], $0xA00, $0x38;
	[tilespmem:$0xC080] =	vst v63  }
0x107: {  	s1 =	sadd.s32 $0x300, s29  }
0x108: {  	[hbm4b:s1+s2] =	stream.linear.scatter [tilespmem:s10], [sflag:$0x2], $0xA00, $0x38;
	[tilespmem:$0xC080] =	vst v63  }
0x109: {  	s4 =	sadd.s32 $0x480, s29  }
0x10a: {  	[hbm4b:s4+s2] =	stream.linear.scatter [tilespmem:s11], [sflag:$0x2], $0xA00, $0x38;
	[tilespmem:$0xC080] =	vst v63  }
0x10b: {  	s1 =	sadd.s32 $0x600, s29  }
0x10c: {  	[hbm4b:s1+s2] =	stream.linear.scatter [tilespmem:s12], [sflag:$0x2], $0xA00, $0x38;
	[tilespmem:$0xC080] =	vst v63  }
0x10d: {  	s4 =	sadd.s32 $0x780, s29  }
0x10e: {  	[hbm4b:s4+s2] =	stream.linear.scatter [tilespmem:s13], [sflag:$0x2], $0xA00, $0x38;
	[tilespmem:$0xC080] =	vst v63  }
0x10f: {  	s1 =	sadd.s32 $0x900, s29  }
0x110: {  	[hbm4b:s1+s2] =	stream.linear.scatter [tilespmem:s14], [sflag:$0x2], $0xA00, $0x38;
	[tilespmem:$0xC080] =	vst v63  }
0x111: {  	s4 =	sadd.s32 $0xA80, s29  }
0x112: {  	[hbm4b:s4+s2] =	stream.linear.scatter [tilespmem:s15], [sflag:$0x2], $0xA00, $0x38;
	[tilespmem:$0xC080] =	vst v63  }
0x113: {  	s1 =	sadd.s32 $0xC00, s29  }
0x114: {  	[hbm4b:s1+s2] =	stream.linear.scatter [tilespmem:s16], [sflag:$0x2], $0xA00, $0x38;
	[tilespmem:$0xC080] =	vst v63  }
0x115: {  	s4 =	sadd.s32 $0xD80, s29  }
0x116: {  	[hbm4b:s4+s2] =	stream.linear.scatter [tilespmem:s17], [sflag:$0x2], $0xA00, $0x38;
	[tilespmem:$0xC080] =	vst v63  }
0x117: {  	s1 =	sadd.s32 $0xF00, s29  }
0x118: {  	[hbm4b:s1+s2] =	stream.linear.scatter [tilespmem:s18], [sflag:$0x2], $0xA00, $0x38;
	[tilespmem:$0xC080] =	vst v63  }
0x119: {  	p0 =	sne.s32 s28, $0x4D0;
	s4 =	sadd.s32 $0x1080, s29  }
0x11a: {  	[hbm4b:s4+s2] =	stream.linear.scatter [tilespmem:s19], [sflag:$0x2], $0xA00, $0x38;
	[tilespmem:$0xC080] =	vst v63  }
.Ltmp0:
0x11b: {  	_ = 	snop;
	(pc) =	sbr.rel @p0 .LBB2_2-.Ltmp0, $4  }
0x11c: {  	s28 =	sadd.s32 $0xB0, s28;
	s30 =	sadd.s32 $0x10, s30;
	s1 =	sadd.s32 $0x1200, s29  }
0x11d: {  	[hbm4b:s1+s2] =	stream.linear.scatter [tilespmem:s20], [sflag:$0x2], $0xA00, $0x38;
	[tilespmem:$0xC080] =	vst v63  }
0x11e: {  	s31 =	sadd.s32 $0x1500, s29;
	s4 =	sadd.s32 $0x1380, s29;
	s29 =	sadd.s32 $0x1800, s29  }
0x11f: {  	[hbm4b:s4+s2] =	stream.linear.scatter [tilespmem:s21], [sflag:$0x2], $0xA00, $0x38;
	[tilespmem:$0xC080] =	vst v63  }
0x120: {  	[hbm4b:s31+s2] =	stream.linear.scatter [tilespmem:s22], [sflag:$0x2], $0xA00, $0x38;
	[tilespmem:$0xC080] =	vst v63  }
0x121: {  	s25 =	sadd.s32 $0x1, s25  }
0x122: {  	p0 =	sne.s32 s25, s5  }
.Ltmp1:
0x123: {  	_ = 	snop;
	(pc) =	sbr.rel @p0 .LBB2_1-.Ltmp1, $4  }
0x124: {  	[hbm4b:s26+s2] =	stream.linear.scatter [tilespmem:s23], [sflag:$0x2], $0xA00, $0x38;
	[tilespmem:$0xC080] =	vst v63  }
0x125: {  	_ =	swait.ge [sflag:s7], $0xA000  }
0x126: {  	[sflag:s7] =	ssyncset.done $0x0  }
0x127: {  	[sflag:s7] =	ssyncadd.s32 $0xFFFF6000  }
0x128: {  	_ =	sfence.sel $0x180000  }
0x129: {  	[bflag:$0x0] =	sbarrier.arrive $0xFFFF  }
0x12a: {  	_ =	strace $0x90000047  }
0x12b: {  	s0 =	stileid.u32;
	[bflag:$0x2] =	sbarrier.arrive $0xFFFF  }
0x12c: {  	p0 =	sne.s32 s0, $0x0;
	s0 =	rddreg [dreg:$0x2]  }
0x12d: {  	s0 =	sadd.s32 @!p0 $0x100000, s0  }
0x12e: {  	[sflag:s0] =	ssyncadd.tile.s32 @!p0 $0x1;
	_ =	shalt  }
.Lfunc_end2:
_tile_overlayer_lowered:
.L_overlay_start_2:
0x12f: {  	(tag) =	ssettag $0x2  }
0x130: {  	s0 =	rddreg [dreg:$0x0];
	s2 =	stileid.u32  }
0x131: {  	s1 =	rddreg [dreg:$0x1];
	p0 =	sne.s32 s2, $0x0  }
0x132: {  	s3 =	rddreg [dreg:$0x2];
	[bflag:$0x3] =	sbarrier.arrive $0xFFFF;
	s2 =	simm.s32 @!p0 $0x1C02  }
0x133: {  	[timem:s3], [sflag:s2] =	dma.local @!p0 [hbm:s0], s1  }
0x134: {  	s0 =	simm.s32 @!p0 $0x2  }
0x135: {  	_ =	swait.ge @!p0 [sflag:s0], s1  }
0x136: {  	s1 =	ssub.s32 @!p0 $0x0, s1;
	[sflag:s0] =	ssyncset.done @!p0 $0x0  }
0x137: {  	[sflag:s0] =	ssyncadd.s32 @!p0 s1  }
0x138: {  	[bflag:$0x3] =	sbarrier.arrive $0xFFFF  }
0x139: {  	_ =	shalt  }

</sc_bundles>
